<compile_context>
chip_gen: v7x
topology: tpu7x:2x2x1
jax: 0.10.2.dev20260603
libtpu: 0.0.44.dev20260713+nightly
codegen_flags: <defaults>
</compile_context>

<pallas_src>
import functools

import jax
import jax.numpy as jnp
from jax import lax
from jax.experimental import pallas as pl
from jax.experimental.pallas import tpu as pltpu
from jax.experimental.pallas import tpu_sc as plsc

_S, _D, _H, _E = 2048, 768, 1024, 64
_BM = 128
_SLOTS = _S + _E * 7 + _BM
_TMAX = _E + _S // _BM


def _router_body(x_ref, wr_ref, br_ref,
                 slot_ref, se_ref, sr_ref, tot_ref, l1_ref, il_ref):
    f32 = jnp.float32
    logits = jnp.dot(x_ref[...], wr_ref[...], preferred_element_type=f32)
    logits = logits + br_ref[...]
    m = jnp.max(logits, axis=-1, keepdims=True)
    ex = jnp.exp(logits - m)
    probs = ex / jnp.sum(ex, axis=-1, keepdims=True)
    maxp = jnp.max(probs, axis=-1, keepdims=True)
    l1_ref[...] = (jnp.sum(probs) / _S).reshape(1, 1)
    imp = jnp.sum(probs, axis=0)
    mu = jnp.mean(imp)
    var = jnp.mean((imp - mu) ** 2)
    il_ref[...] = (var / (mu * mu + 1e-10)).reshape(1, 1)
    eidx = lax.broadcasted_iota(jnp.int32, probs.shape, 1)
    gi = jnp.min(jnp.where(probs == maxp, eidx, _E), axis=-1, keepdims=True)
    oh = (eidx == gi).astype(f32)
    csum = oh
    k = 1
    while k < _S:
        csum = csum + jnp.concatenate(
            [jnp.zeros((k, _E), f32), csum[:_S - k]], axis=0)
        k *= 2
    rank = csum - oh
    cnt = jnp.sum(oh, axis=0, keepdims=True).astype(jnp.int32)
    acnt = ((cnt + 7) // 8) * 8
    nch = (cnt + _BM - 1) // _BM
    e1 = lax.broadcasted_iota(jnp.int32, (_E, _E), 0)
    e2 = lax.broadcasted_iota(jnp.int32, (_E, _E), 1)
    incl = (e1 <= e2).astype(f32)
    strict = (e1 < e2).astype(f32)
    cum = jnp.dot(nch.astype(f32), incl,
                  preferred_element_type=f32).astype(jnp.int32)
    aoff = jnp.dot(acnt.astype(f32), strict,
                   preferred_element_type=f32)
    total = jnp.sum(nch)
    tot_ref[...] = total.reshape(1, 1)
    slot = jnp.sum(oh * aoff, axis=1, keepdims=True) + \
        jnp.sum(oh * rank, axis=1, keepdims=True)
    slot_ref[...] = slot.astype(jnp.int32)
    tt = lax.broadcasted_iota(jnp.int32, (_TMAX, 1), 0)
    tcl = jnp.minimum(tt, total - 1)
    done = (cum <= tcl).astype(jnp.int32)
    se_ref[...] = jnp.sum(done, axis=1, keepdims=True)
    cw = tcl - jnp.sum(done * nch, axis=1, keepdims=True)
    sr_ref[...] = jnp.sum(done * acnt, axis=1, keepdims=True) + cw * _BM


def _router(xf, Wr, br):
    return pl.pallas_call(
        _router_body,
        out_shape=[
            jax.ShapeDtypeStruct((_S, 1), jnp.int32),
            jax.ShapeDtypeStruct((_TMAX, 1), jnp.int32),
            jax.ShapeDtypeStruct((_TMAX, 1), jnp.int32),
            jax.ShapeDtypeStruct((1, 1), jnp.int32),
            jax.ShapeDtypeStruct((1, 1), jnp.float32),
            jax.ShapeDtypeStruct((1, 1), jnp.float32),
        ],
    )(xf, Wr, br.reshape(1, _E))


def _sc_row_scatter(rows, slot, n_slots):
    info = plsc.get_sparse_core_info()
    nw = info.num_cores * info.num_subcores
    n, ncols = rows.shape
    bpw = n // nw
    mesh = plsc.VectorSubcoreMesh(core_axis_name="c", subcore_axis_name="s")

    @functools.partial(
        pl.kernel,
        out_type=jax.ShapeDtypeStruct((n_slots, ncols), rows.dtype),
        mesh=mesh,
        scratch_types=[
            pltpu.VMEM((bpw,), jnp.int32),
            pltpu.VMEM((bpw, ncols), rows.dtype),
            pltpu.SemaphoreType.DMA,
        ],
    )
    def scatter_k(rows_hbm, slot_hbm, out_hbm, idx_v, rows_v, sem):
        wid = lax.axis_index("s") * info.num_cores + lax.axis_index("c")
        base = wid * bpw
        pltpu.sync_copy(slot_hbm.at[pl.ds(base, bpw)], idx_v)
        pltpu.sync_copy(rows_hbm.at[pl.ds(base, bpw)], rows_v)
        pltpu.async_copy(rows_v, out_hbm.at[idx_v], sem).wait()

    return scatter_k(rows, slot)


def _sc_row_gather(table, idx, n_out):
    info = plsc.get_sparse_core_info()
    nw = info.num_cores * info.num_subcores
    bpw = n_out // nw
    ncols = table.shape[1]
    mesh = plsc.VectorSubcoreMesh(core_axis_name="c", subcore_axis_name="s")

    @functools.partial(
        pl.kernel,
        out_type=jax.ShapeDtypeStruct((n_out, ncols), table.dtype),
        mesh=mesh,
        scratch_types=[
            pltpu.VMEM((bpw,), jnp.int32),
            pltpu.VMEM((bpw, ncols), table.dtype),
            pltpu.SemaphoreType.DMA,
        ],
    )
    def gather_k(table_hbm, idx_hbm, out_hbm, idx_v, rows_v, sem):
        wid = lax.axis_index("s") * info.num_cores + lax.axis_index("c")
        base = wid * bpw
        pltpu.sync_copy(idx_hbm.at[pl.ds(base, bpw)], idx_v)
        pltpu.async_copy(table_hbm.at[idx_v], rows_v, sem).wait()
        pltpu.sync_copy(rows_v, out_hbm.at[pl.ds(base, bpw)])

    return gather_k(table, idx)


def _ffn_body(se_ref, sr_ref, tot_ref, x_ref, wr_ref, br_ref, w1_ref, b1_ref,
              w2_ref, b2_ref, out_ref):
    t = pl.program_id(0)

    @pl.when(t < tot_ref[0, 0])
    def _():
        rs = pl.multiple_of(sr_ref[t, 0], 8)
        xc = x_ref[pl.ds(rs, _BM), :]
        lg = jnp.dot(xc, wr_ref[...], preferred_element_type=jnp.float32)
        lg = lg + br_ref[...]
        exl = jnp.exp(lg - jnp.max(lg, axis=-1, keepdims=True))
        g = jnp.max(exl, axis=-1, keepdims=True) / \
            jnp.sum(exl, axis=-1, keepdims=True)
        h = jnp.dot(xc, w1_ref[0], preferred_element_type=jnp.float32)
        h = h + b1_ref[0]
        h = h * jax.nn.sigmoid(h)
        o = jnp.dot(h, w2_ref[0], preferred_element_type=jnp.float32)
        o = (o + b2_ref[0]) * g
        out_ref[pl.ds(rs, _BM), :] = o


def _grouped_ffn(se, sr, tot, x_slots, Wr, br, W1, b1, W2, b2):
    grid_spec = pltpu.PrefetchScalarGridSpec(
        num_scalar_prefetch=3,
        grid=(_TMAX,),
        in_specs=[
            pl.BlockSpec((_SLOTS, _D), lambda t, se, sr, tot: (0, 0)),
            pl.BlockSpec((_D, _E), lambda t, se, sr, tot: (0, 0)),
            pl.BlockSpec((1, _E), lambda t, se, sr, tot: (0, 0)),
            pl.BlockSpec((1, _D, _H), lambda t, se, sr, tot: (se[t, 0], 0, 0)),
            pl.BlockSpec((1, 1, _H), lambda t, se, sr, tot: (se[t, 0], 0, 0)),
            pl.BlockSpec((1, _H, _D), lambda t, se, sr, tot: (se[t, 0], 0, 0)),
            pl.BlockSpec((1, 1, _D), lambda t, se, sr, tot: (se[t, 0], 0, 0)),
        ],
        out_specs=pl.BlockSpec((_SLOTS, _D), lambda t, se, sr, tot: (0, 0)),
    )
    return pl.pallas_call(
        _ffn_body,
        grid_spec=grid_spec,
        out_shape=jax.ShapeDtypeStruct((_SLOTS, _D), jnp.float32),
    )(se, sr, tot, x_slots, Wr, br.reshape(1, _E), W1,
      b1.reshape(_E, 1, _H), W2, b2.reshape(_E, 1, _D))


def kernel(x, Wr, br, W1, b1, W2, b2):
    b, s, d = x.shape
    xf = x.reshape(s, d)
    slot, se, sr, tot, l1, il = _router(xf, Wr, br)
    slot1d = slot.reshape(_S)
    x_slots = _sc_row_scatter(xf, slot1d, _SLOTS)
    out_slots = _grouped_ffn(se, sr, tot, x_slots, Wr, br, W1, b1, W2, b2)
    final = _sc_row_gather(out_slots, slot1d, _S)
    return final.reshape(b, s, d), l1[0, 0], il[0, 0]

# --- scband reference (transcript-rebuilt; emitter-appended) ---
"""Pipeline reference for scband-experts-feed-forward-2284922602057 (READ-ONLY COPY).

The authoritative reference and input builder live on the scoring server;
editing this copy changes nothing except your own understanding.
"""

import jax, jax.numpy as jnp
import numpy as np

B, S, D, H, E = 1, 2048, 768, 1024, 64

def setup_inputs(seed: int = 0) -> dict:
    key = jax.random.key(seed)
    ks = jax.random.split(key, 6)
    x = jax.random.normal(ks[0], (B, S, D), dtype=jnp.float32)
    Wr = jax.random.normal(ks[1], (D, E), dtype=jnp.float32) * 0.02
    br = jnp.zeros((E,), dtype=jnp.float32)
    W1 = jax.random.normal(ks[2], (E, D, H), dtype=jnp.float32) * 0.02
    b1 = jnp.zeros((E, H), dtype=jnp.float32)
    W2 = jax.random.normal(ks[3], (E, H, D), dtype=jnp.float32) * 0.02
    b2 = jnp.zeros((E, D), dtype=jnp.float32)
    return {"x": x, "Wr": Wr, "br": br, "W1": W1, "b1": b1, "W2": W2, "b2": b2}

def _silu(v):
    return v * jax.nn.sigmoid(v)

def reference(x, Wr, br, W1, b1, W2, b2):
    b, s, d = x.shape
    xf = x.reshape(-1, d)
    # router (fusion_type='none' -> router input is x itself)
    router_logits = xf @ Wr + br
    router_probs = jax.nn.softmax(router_logits, axis=-1)
    gate_value = jnp.max(router_probs, axis=-1)
    gate_idx = jnp.argmax(router_probs, axis=-1)
    # SparseL1Loss: mean L1 norm of router probabilities over tokens
    l1_loss = jnp.mean(jnp.sum(jnp.abs(router_probs), axis=-1))
    # BalanceImportanceLoss: squared coefficient of variation of expert importance
    importance = jnp.sum(router_probs, axis=0)
    importance_loss = jnp.var(importance) / (jnp.mean(importance) ** 2 + 1e-10)
    n_experts = Wr.shape[1]
    # drop_tokens=False and dropout=0.0: route every token to its argmax expert
    def _expert_body(i, final):
        h = _silu(xf @ W1[i] + b1[i])
        out_e = h @ W2[i] + b2[i]
        mask = (gate_idx == i)[:, None]
        return jnp.where(mask, out_e, final)
    final = jax.lax.fori_loop(0, n_experts, _expert_body, jnp.zeros_like(xf))
    # is_scale_prob=True
    final = final * gate_value[:, None]
    final = final.reshape(b, s, d)
    return final, l1_loss, importance_loss

if __name__ == "__main__":
    import jax
    _d = setup_inputs()
    print(jax.jit(kernel)(*tuple(_d.values())))

</pallas_src>

<mosaic_0001>
#map = affine_map<(d0, d1) -> (0, 0)>
#map1 = affine_map<(d0, d1) -> (0)>
module attributes {stable_mosaic.version = 14 : i64} {
  func.func @gather_k(%arg0: i32, %arg1: i32, %arg2: memref<2624x768xf32, #tpu.memory_space<hbm>>, %arg3: memref<2048xi32, #tpu.memory_space<hbm>>, %arg4: memref<2048x768xf32, #tpu.memory_space<hbm>>, %arg5: memref<64xi32, #tpu.memory_space<vmem>>, %arg6: memref<64x768xf32, #tpu.memory_space<vmem>>, %arg7: memref<!tpu.dma_semaphore, #tpu.memory_space<semaphore_mem>>) attributes {dimension_semantics = [#tpu.dimension_semantics<core_parallel>, #tpu.dimension_semantics<subcore_parallel>], iteration_bounds = array<i64: 2, 16>, scalar_prefetch = 0 : i64, scratch_operands = 3 : i64, tpu.core_type = #tpu.core_type<sc_vector_subcore>, window_params = [{transform_indices = #map}, {transform_indices = #map1}, {transform_indices = #map}]} {
    %mul3A = arith.constant 2 : i32
    %mul3A_0 = arith.muli %arg1, %mul3A : i32
    %add3A = arith.addi %mul3A_0, %arg0 : i32
    %mul3A_1 = arith.constant 64 : i32
    %mul3A_2 = arith.muli %add3A, %mul3A_1 : i32
    "tpu.region"() ({
      %run_scoped3A = tpu.sem_alloc : memref<!tpu.dma_semaphore, #tpu.memory_space<semaphore_mem>>
      %dma_start3A_7 = tpu.memref_slice %arg3[%mul3A_2] : memref<2048xi32, #tpu.memory_space<hbm>> -> memref<64xi32, #tpu.memory_space<hbm>>
      %dma_start3A_8 = tpu.memref_slice %arg3[%mul3A_2] : memref<2048xi32, #tpu.memory_space<hbm>> -> memref<64xi32, #tpu.memory_space<hbm>>
      tpu.enqueue_dma source(%dma_start3A_8 : memref<64xi32, #tpu.memory_space<hbm>>) target(%arg5 : memref<64xi32, #tpu.memory_space<vmem>>) target_semaphore(%run_scoped3A : memref<!tpu.dma_semaphore, #tpu.memory_space<semaphore_mem>>)
      %dma_wait3A_9 = tpu.memref_slice %arg3[%mul3A_2] : memref<2048xi32, #tpu.memory_space<hbm>> -> memref<64xi32, #tpu.memory_space<hbm>>
      %dma_wait3A_10 = tpu.memref_slice %arg3[%mul3A_2] : memref<2048xi32, #tpu.memory_space<hbm>> -> memref<64xi32, #tpu.memory_space<hbm>>
      tpu.wait_dma2 semaphore(%run_scoped3A : memref<!tpu.dma_semaphore, #tpu.memory_space<semaphore_mem>>) src(%dma_wait3A_10 : memref<64xi32, #tpu.memory_space<hbm>>) dst(%arg5 : memref<64xi32, #tpu.memory_space<vmem>>)
      tpu.yield
    }) : () -> ()
    %dma_start3A = arith.constant 0 : i32
    %dma_start3A_3 = arith.constant 0 : i32
    %dma_start3A_4 = tpu.memref_slice %arg2[%dma_start3A, %dma_start3A_3] : memref<2624x768xf32, #tpu.memory_space<hbm>> -> memref<2624x768xf32, #tpu.memory_space<hbm>>
    tpu.enqueue_indirect_dma source(%dma_start3A_4 : memref<2624x768xf32, #tpu.memory_space<hbm>>) target(%arg6 : memref<64x768xf32, #tpu.memory_space<vmem>>) offsets(%arg5 : memref<64xi32, #tpu.memory_space<vmem>>) semaphore(%arg7 : memref<!tpu.dma_semaphore, #tpu.memory_space<semaphore_mem>>)
    %dma_wait3A = arith.constant 0 : i32
    %dma_wait3A_5 = arith.constant 0 : i32
    %dma_wait3A_6 = tpu.memref_slice %arg2[%dma_wait3A, %dma_wait3A_5] : memref<2624x768xf32, #tpu.memory_space<hbm>> -> memref<2624x768xf32, #tpu.memory_space<hbm>>
    tpu.wait_indirect_dma semaphore(%arg7 : memref<!tpu.dma_semaphore, #tpu.memory_space<semaphore_mem>>) src(%dma_wait3A_6 : memref<2624x768xf32, #tpu.memory_space<hbm>>) dst(%arg6 : memref<64x768xf32, #tpu.memory_space<vmem>>)
    "tpu.region"() ({
      %run_scoped3A = tpu.sem_alloc : memref<!tpu.dma_semaphore, #tpu.memory_space<semaphore_mem>>
      %dma_start3A_7 = arith.constant 0 : i32
      %dma_start3A_8 = tpu.memref_slice %arg4[%mul3A_2, %dma_start3A_7] : memref<2048x768xf32, #tpu.memory_space<hbm>> -> memref<64x768xf32, #tpu.memory_space<hbm>>
      %dma_start3A_9 = arith.constant 0 : i32
      %dma_start3A_10 = tpu.memref_slice %arg4[%mul3A_2, %dma_start3A_9] : memref<2048x768xf32, #tpu.memory_space<hbm>> -> memref<64x768xf32, #tpu.memory_space<hbm>>
      tpu.enqueue_dma source(%arg6 : memref<64x768xf32, #tpu.memory_space<vmem>>) target(%dma_start3A_10 : memref<64x768xf32, #tpu.memory_space<hbm>>) target_semaphore(%run_scoped3A : memref<!tpu.dma_semaphore, #tpu.memory_space<semaphore_mem>>)
      %dma_wait3A_11 = arith.constant 0 : i32
      %dma_wait3A_12 = tpu.memref_slice %arg4[%mul3A_2, %dma_wait3A_11] : memref<2048x768xf32, #tpu.memory_space<hbm>> -> memref<64x768xf32, #tpu.memory_space<hbm>>
      %dma_wait3A_13 = arith.constant 0 : i32
      %dma_wait3A_14 = tpu.memref_slice %arg4[%mul3A_2, %dma_wait3A_13] : memref<2048x768xf32, #tpu.memory_space<hbm>> -> memref<64x768xf32, #tpu.memory_space<hbm>>
      tpu.wait_dma2 semaphore(%run_scoped3A : memref<!tpu.dma_semaphore, #tpu.memory_space<semaphore_mem>>) src(%arg6 : memref<64x768xf32, #tpu.memory_space<vmem>>) dst(%dma_wait3A_14 : memref<64x768xf32, #tpu.memory_space<hbm>>)
      tpu.yield
    }) : () -> ()
    return
  }
}

#map = affine_map<(d0, d1) -> (0, 0)>
#map1 = affine_map<(d0, d1) -> (0)>
module attributes {stable_mosaic.version = 14 : i64} {
  func.func @scatter_k(%arg0: i32, %arg1: i32, %arg2: memref<2048x768xf32, #tpu.memory_space<hbm>>, %arg3: memref<2048xi32, #tpu.memory_space<hbm>>, %arg4: memref<2624x768xf32, #tpu.memory_space<hbm>>, %arg5: memref<64xi32, #tpu.memory_space<vmem>>, %arg6: memref<64x768xf32, #tpu.memory_space<vmem>>, %arg7: memref<!tpu.dma_semaphore, #tpu.memory_space<semaphore_mem>>) attributes {dimension_semantics = [#tpu.dimension_semantics<core_parallel>, #tpu.dimension_semantics<subcore_parallel>], iteration_bounds = array<i64: 2, 16>, scalar_prefetch = 0 : i64, scratch_operands = 3 : i64, tpu.core_type = #tpu.core_type<sc_vector_subcore>, window_params = [{transform_indices = #map}, {transform_indices = #map1}, {transform_indices = #map}]} {
    %mul3A = arith.constant 2 : i32
    %mul3A_0 = arith.muli %arg1, %mul3A : i32
    %add3A = arith.addi %mul3A_0, %arg0 : i32
    %mul3A_1 = arith.constant 64 : i32
    %mul3A_2 = arith.muli %add3A, %mul3A_1 : i32
    "tpu.region"() ({
      %run_scoped3A = tpu.sem_alloc : memref<!tpu.dma_semaphore, #tpu.memory_space<semaphore_mem>>
      %dma_start3A_7 = tpu.memref_slice %arg3[%mul3A_2] : memref<2048xi32, #tpu.memory_space<hbm>> -> memref<64xi32, #tpu.memory_space<hbm>>
      %dma_start3A_8 = tpu.memref_slice %arg3[%mul3A_2] : memref<2048xi32, #tpu.memory_space<hbm>> -> memref<64xi32, #tpu.memory_space<hbm>>
      tpu.enqueue_dma source(%dma_start3A_8 : memref<64xi32, #tpu.memory_space<hbm>>) target(%arg5 : memref<64xi32, #tpu.memory_space<vmem>>) target_semaphore(%run_scoped3A : memref<!tpu.dma_semaphore, #tpu.memory_space<semaphore_mem>>)
      %dma_wait3A_9 = tpu.memref_slice %arg3[%mul3A_2] : memref<2048xi32, #tpu.memory_space<hbm>> -> memref<64xi32, #tpu.memory_space<hbm>>
      %dma_wait3A_10 = tpu.memref_slice %arg3[%mul3A_2] : memref<2048xi32, #tpu.memory_space<hbm>> -> memref<64xi32, #tpu.memory_space<hbm>>
      tpu.wait_dma2 semaphore(%run_scoped3A : memref<!tpu.dma_semaphore, #tpu.memory_space<semaphore_mem>>) src(%dma_wait3A_10 : memref<64xi32, #tpu.memory_space<hbm>>) dst(%arg5 : memref<64xi32, #tpu.memory_space<vmem>>)
      tpu.yield
    }) : () -> ()
    "tpu.region"() ({
      %run_scoped3A = tpu.sem_alloc : memref<!tpu.dma_semaphore, #tpu.memory_space<semaphore_mem>>
      %dma_start3A_7 = arith.constant 0 : i32
      %dma_start3A_8 = tpu.memref_slice %arg2[%mul3A_2, %dma_start3A_7] : memref<2048x768xf32, #tpu.memory_space<hbm>> -> memref<64x768xf32, #tpu.memory_space<hbm>>
      %dma_start3A_9 = arith.constant 0 : i32
      %dma_start3A_10 = tpu.memref_slice %arg2[%mul3A_2, %dma_start3A_9] : memref<2048x768xf32, #tpu.memory_space<hbm>> -> memref<64x768xf32, #tpu.memory_space<hbm>>
      tpu.enqueue_dma source(%dma_start3A_10 : memref<64x768xf32, #tpu.memory_space<hbm>>) target(%arg6 : memref<64x768xf32, #tpu.memory_space<vmem>>) target_semaphore(%run_scoped3A : memref<!tpu.dma_semaphore, #tpu.memory_space<semaphore_mem>>)
      %dma_wait3A_11 = arith.constant 0 : i32
      %dma_wait3A_12 = tpu.memref_slice %arg2[%mul3A_2, %dma_wait3A_11] : memref<2048x768xf32, #tpu.memory_space<hbm>> -> memref<64x768xf32, #tpu.memory_space<hbm>>
      %dma_wait3A_13 = arith.constant 0 : i32
      %dma_wait3A_14 = tpu.memref_slice %arg2[%mul3A_2, %dma_wait3A_13] : memref<2048x768xf32, #tpu.memory_space<hbm>> -> memref<64x768xf32, #tpu.memory_space<hbm>>
      tpu.wait_dma2 semaphore(%run_scoped3A : memref<!tpu.dma_semaphore, #tpu.memory_space<semaphore_mem>>) src(%dma_wait3A_14 : memref<64x768xf32, #tpu.memory_space<hbm>>) dst(%arg6 : memref<64x768xf32, #tpu.memory_space<vmem>>)
      tpu.yield
    }) : () -> ()
    %dma_start3A = arith.constant 0 : i32
    %dma_start3A_3 = arith.constant 0 : i32
    %dma_start3A_4 = tpu.memref_slice %arg4[%dma_start3A, %dma_start3A_3] : memref<2624x768xf32, #tpu.memory_space<hbm>> -> memref<2624x768xf32, #tpu.memory_space<hbm>>
    tpu.enqueue_indirect_dma source(%arg6 : memref<64x768xf32, #tpu.memory_space<vmem>>) target(%dma_start3A_4 : memref<2624x768xf32, #tpu.memory_space<hbm>>) offsets(%arg5 : memref<64xi32, #tpu.memory_space<vmem>>) semaphore(%arg7 : memref<!tpu.dma_semaphore, #tpu.memory_space<semaphore_mem>>)
    %dma_wait3A = arith.constant 0 : i32
    %dma_wait3A_5 = arith.constant 0 : i32
    %dma_wait3A_6 = tpu.memref_slice %arg4[%dma_wait3A, %dma_wait3A_5] : memref<2624x768xf32, #tpu.memory_space<hbm>> -> memref<2624x768xf32, #tpu.memory_space<hbm>>
    tpu.wait_indirect_dma semaphore(%arg7 : memref<!tpu.dma_semaphore, #tpu.memory_space<semaphore_mem>>) src(%arg6 : memref<64x768xf32, #tpu.memory_space<vmem>>) dst(%dma_wait3A_6 : memref<2624x768xf32, #tpu.memory_space<hbm>>)
    return
  }
}

module attributes {stable_mosaic.version = 14 : i64} {
  func.func @_router_body(%arg0: memref<2048x768xf32, #tpu.memory_space<vmem>>, %arg1: memref<768x64xf32, #tpu.memory_space<vmem>>, %arg2: memref<1x64xf32, #tpu.memory_space<vmem>>, %arg3: memref<2048x1xi32, #tpu.memory_space<vmem>>, %arg4: memref<80x1xi32, #tpu.memory_space<vmem>>, %arg5: memref<80x1xi32, #tpu.memory_space<vmem>>, %arg6: memref<1x1xi32, #tpu.memory_space<vmem>>, %arg7: memref<1x1xf32, #tpu.memory_space<vmem>>, %arg8: memref<1x1xf32, #tpu.memory_space<vmem>>) attributes {dimension_semantics = [], scalar_prefetch = 0 : i64, scratch_operands = 0 : i64, tpu.core_type = #tpu.core_type<tc>} {
    %get3A = arith.constant 0 : index
    %get3A_0 = arith.constant 0 : index
    %get3A_1 = vector.load %arg0[%get3A, %get3A_0] : memref<2048x768xf32, #tpu.memory_space<vmem>>, vector<2048x768xf32>
    %get3A_2 = arith.constant 0 : index
    %get3A_3 = arith.constant 0 : index
    %get3A_4 = vector.load %arg1[%get3A_2, %get3A_3] : memref<768x64xf32, #tpu.memory_space<vmem>>, vector<768x64xf32>
    %dot_general3A = arith.constant dense<0.000000e+00> : vector<2048x64xf32>
    %dot_general3A_5 = tpu.matmul %get3A_1, %get3A_4, %dot_general3A {dimension_numbers = #tpu.dot_dimension_numbers<[1], [0], [0], [1], [0, 0, 1, 1], [], []>, transpose_lhs_hint = false} : vector<2048x768xf32>, vector<768x64xf32>, vector<2048x64xf32> -> vector<2048x64xf32>
    %get3A_6 = arith.constant 0 : index
    %get3A_7 = arith.constant 0 : index
    %get3A_8 = vector.load %arg2[%get3A_6, %get3A_7] : memref<1x64xf32, #tpu.memory_space<vmem>>, vector<1x64xf32>
    %add3A = vector.broadcast %get3A_8 : vector<1x64xf32> to vector<2048x64xf32>
    %add3A_9 = arith.addf %dot_general3A_5, %add3A : vector<2048x64xf32>
    %reduce_max3A = arith.constant dense<0xFF800000> : vector<2048xf32>
    %reduce_max3A_10 = vector.multi_reduction <maximumf>, %add3A_9, %reduce_max3A [1] : vector<2048x64xf32> to vector<2048xf32>
    %broadcast_in_dim3A = vector.shape_cast %reduce_max3A_10 : vector<2048xf32> to vector<2048x1xf32>
    %sub3A = vector.broadcast %broadcast_in_dim3A : vector<2048x1xf32> to vector<2048x64xf32>
    %sub3A_11 = arith.subf %add3A_9, %sub3A : vector<2048x64xf32>
    %exp3A = math.exp %sub3A_11 : vector<2048x64xf32>
    %reduce_sum3A = arith.constant dense<0.000000e+00> : vector<2048xf32>
    %reduce_sum3A_12 = vector.multi_reduction <add>, %exp3A, %reduce_sum3A [1] : vector<2048x64xf32> to vector<2048xf32>
    %broadcast_in_dim3A_13 = vector.shape_cast %reduce_sum3A_12 : vector<2048xf32> to vector<2048x1xf32>
    %div3A = vector.broadcast %broadcast_in_dim3A_13 : vector<2048x1xf32> to vector<2048x64xf32>
    %div3A_14 = arith.divf %exp3A, %div3A : vector<2048x64xf32>
    %reduce_max3A_15 = arith.constant dense<0xFF800000> : vector<2048xf32>
    %reduce_max3A_16 = vector.multi_reduction <maximumf>, %div3A_14, %reduce_max3A_15 [1] : vector<2048x64xf32> to vector<2048xf32>
    %broadcast_in_dim3A_17 = vector.shape_cast %reduce_max3A_16 : vector<2048xf32> to vector<2048x1xf32>
    %reduce_sum3A_18 = vector.shape_cast %div3A_14 : vector<2048x64xf32> to vector<1x2048x64xf32>
    %reduce_sum3A_19 = arith.constant dense<0.000000e+00> : vector<1xf32>
    %reduce_sum3A_20 = vector.multi_reduction <add>, %reduce_sum3A_18, %reduce_sum3A_19 [1, 2] : vector<1x2048x64xf32> to vector<1xf32>
    %reduce_sum3A_21 = vector.shape_cast %reduce_sum3A_20 : vector<1xf32> to vector<1x1x1xf32>
    %reduce_sum3A_22 = vector.extract %reduce_sum3A_21[0, 0, 0] : f32 from vector<1x1x1xf32>
    %div3A_23 = arith.constant 2.048000e+03 : f32
    %div3A_24 = arith.divf %reduce_sum3A_22, %div3A_23 : f32
    %reshape3A = vector.broadcast %div3A_24 : f32 to vector<1x1xf32>
    %swap3A = arith.constant 0 : index
    %swap3A_25 = arith.constant 0 : index
    %swap3A_26 = vector.load %arg7[%swap3A, %swap3A_25] : memref<1x1xf32, #tpu.memory_space<vmem>>, vector<1x1xf32>
    tpu.vector_store %arg7[%swap3A, %swap3A_25], %reshape3A {strides = array<i32>} : memref<1x1xf32, #tpu.memory_space<vmem>>, vector<1x1xf32>,
    %reduce_sum3A_27 = arith.constant dense<0.000000e+00> : vector<64xf32>
    %reduce_sum3A_28 = vector.multi_reduction <add>, %div3A_14, %reduce_sum3A_27 [0] : vector<2048x64xf32> to vector<64xf32>
    %reduce_sum3A_29 = vector.shape_cast %reduce_sum3A_28 : vector<64xf32> to vector<1x64xf32>
    %reduce_sum3A_30 = arith.constant dense<0.000000e+00> : vector<1xf32>
    %reduce_sum3A_31 = vector.multi_reduction <add>, %reduce_sum3A_29, %reduce_sum3A_30 [1] : vector<1x64xf32> to vector<1xf32>
    %reduce_sum3A_32 = vector.shape_cast %reduce_sum3A_31 : vector<1xf32> to vector<1x1xf32>
    %reduce_sum3A_33 = vector.extract %reduce_sum3A_32[0, 0] : f32 from vector<1x1xf32>
    %div3A_34 = arith.constant 6.400000e+01 : f32
    %div3A_35 = arith.divf %reduce_sum3A_33, %div3A_34 : f32
    %sub3A_36 = vector.broadcast %div3A_35 : f32 to vector<64xf32>
    %sub3A_37 = arith.subf %reduce_sum3A_28, %sub3A_36 : vector<64xf32>
    %integer_pow3A = arith.mulf %sub3A_37, %sub3A_37 : vector<64xf32>
    %reduce_sum3A_38 = vector.shape_cast %integer_pow3A : vector<64xf32> to vector<1x64xf32>
    %reduce_sum3A_39 = arith.constant dense<0.000000e+00> : vector<1xf32>
    %reduce_sum3A_40 = vector.multi_reduction <add>, %reduce_sum3A_38, %reduce_sum3A_39 [1] : vector<1x64xf32> to vector<1xf32>
    %reduce_sum3A_41 = vector.shape_cast %reduce_sum3A_40 : vector<1xf32> to vector<1x1xf32>
    %reduce_sum3A_42 = vector.extract %reduce_sum3A_41[0, 0] : f32 from vector<1x1xf32>
    %div3A_43 = arith.constant 6.400000e+01 : f32
    %div3A_44 = arith.divf %reduce_sum3A_42, %div3A_43 : f32
    %mul3A = arith.mulf %div3A_35, %div3A_35 : f32
    %add3A_45 = arith.constant 1.000000e-10 : f32
    %add3A_46 = arith.addf %mul3A, %add3A_45 : f32
    %div3A_47 = arith.divf %div3A_44, %add3A_46 : f32
    %reshape3A_48 = vector.broadcast %div3A_47 : f32 to vector<1x1xf32>
    %swap3A_49 = arith.constant 0 : index
    %swap3A_50 = arith.constant 0 : index
    %swap3A_51 = vector.load %arg8[%swap3A_49, %swap3A_50] : memref<1x1xf32, #tpu.memory_space<vmem>>, vector<1x1xf32>
    tpu.vector_store %arg8[%swap3A_49, %swap3A_50], %reshape3A_48 {strides = array<i32>} : memref<1x1xf32, #tpu.memory_space<vmem>>, vector<1x1xf32>,
    %iota3A = tpu.iota {dimensions = array<i32: 1>} : vector<2048x64xi32>
    %eq3A = vector.broadcast %broadcast_in_dim3A_17 : vector<2048x1xf32> to vector<2048x64xf32>
    %eq3A_52 = arith.cmpf oeq, %div3A_14, %eq3A : vector<2048x64xf32>
    %jit3A = arith.constant 64 : i32
    %broadcast_in_dim3A_53 = vector.broadcast %jit3A : i32 to vector<2048x64xi32>
    %select_n3A = arith.select %eq3A_52, %iota3A, %broadcast_in_dim3A_53 : vector<2048x64xi1>, vector<2048x64xi32>
    %reduce_min3A = arith.constant dense<2147483647> : vector<2048xi32>
    %reduce_min3A_54 = vector.multi_reduction <minsi>, %select_n3A, %reduce_min3A [1] : vector<2048x64xi32> to vector<2048xi32>
    %broadcast_in_dim3A_55 = vector.shape_cast %reduce_min3A_54 : vector<2048xi32> to vector<2048x1xi32>
    %eq3A_56 = vector.broadcast %broadcast_in_dim3A_55 : vector<2048x1xi32> to vector<2048x64xi32>
    %eq3A_57 = arith.cmpi eq, %iota3A, %eq3A_56 : vector<2048x64xi32>
    %convert_element_type3A = arith.extui %eq3A_57 : vector<2048x64xi1> to vector<2048x64xi32>
    %convert_element_type3A_58 = arith.sitofp %convert_element_type3A : vector<2048x64xi32> to vector<2048x64xf32>
    %broadcast_in_dim3A_59 = arith.constant 0.000000e+00 : f32
    %broadcast_in_dim3A_60 = vector.broadcast %broadcast_in_dim3A_59 : f32 to vector<1x64xf32>
    %slice3A = vector.extract_strided_slice %convert_element_type3A_58 {offsets = [0, 0], sizes = [2047, 64], strides = [1, 1]} : vector<2048x64xf32> to vector<2047x64xf32>
    %concatenate3A = tpu.concatenate %broadcast_in_dim3A_60, %slice3A in 0 : vector<1x64xf32>, vector<2047x64xf32> -> vector<2048x64xf32>
    %add3A_61 = arith.addf %convert_element_type3A_58, %concatenate3A : vector<2048x64xf32>
    %broadcast_in_dim3A_62 = arith.constant 0.000000e+00 : f32
    %broadcast_in_dim3A_63 = vector.broadcast %broadcast_in_dim3A_62 : f32 to vector<2x64xf32>
    %slice3A_64 = vector.extract_strided_slice %add3A_61 {offsets = [0, 0], sizes = [2046, 64], strides = [1, 1]} : vector<2048x64xf32> to vector<2046x64xf32>
    %concatenate3A_65 = tpu.concatenate %broadcast_in_dim3A_63, %slice3A_64 in 0 : vector<2x64xf32>, vector<2046x64xf32> -> vector<2048x64xf32>
    %add3A_66 = arith.addf %add3A_61, %concatenate3A_65 : vector<2048x64xf32>
    %broadcast_in_dim3A_67 = arith.constant 0.000000e+00 : f32
    %broadcast_in_dim3A_68 = vector.broadcast %broadcast_in_dim3A_67 : f32 to vector<4x64xf32>
    %slice3A_69 = vector.extract_strided_slice %add3A_66 {offsets = [0, 0], sizes = [2044, 64], strides = [1, 1]} : vector<2048x64xf32> to vector<2044x64xf32>
    %concatenate3A_70 = tpu.concatenate %broadcast_in_dim3A_68, %slice3A_69 in 0 : vector<4x64xf32>, vector<2044x64xf32> -> vector<2048x64xf32>
    %add3A_71 = arith.addf %add3A_66, %concatenate3A_70 : vector<2048x64xf32>
    %broadcast_in_dim3A_72 = arith.constant 0.000000e+00 : f32
    %broadcast_in_dim3A_73 = vector.broadcast %broadcast_in_dim3A_72 : f32 to vector<8x64xf32>
    %slice3A_74 = vector.extract_strided_slice %add3A_71 {offsets = [0, 0], sizes = [2040, 64], strides = [1, 1]} : vector<2048x64xf32> to vector<2040x64xf32>
    %concatenate3A_75 = tpu.concatenate %broadcast_in_dim3A_73, %slice3A_74 in 0 : vector<8x64xf32>, vector<2040x64xf32> -> vector<2048x64xf32>
    %add3A_76 = arith.addf %add3A_71, %concatenate3A_75 : vector<2048x64xf32>
    %broadcast_in_dim3A_77 = arith.constant 0.000000e+00 : f32
    %broadcast_in_dim3A_78 = vector.broadcast %broadcast_in_dim3A_77 : f32 to vector<16x64xf32>
    %slice3A_79 = vector.extract_strided_slice %add3A_76 {offsets = [0, 0], sizes = [2032, 64], strides = [1, 1]} : vector<2048x64xf32> to vector<2032x64xf32>
    %concatenate3A_80 = tpu.concatenate %broadcast_in_dim3A_78, %slice3A_79 in 0 : vector<16x64xf32>, vector<2032x64xf32> -> vector<2048x64xf32>
    %add3A_81 = arith.addf %add3A_76, %concatenate3A_80 : vector<2048x64xf32>
    %broadcast_in_dim3A_82 = arith.constant 0.000000e+00 : f32
    %broadcast_in_dim3A_83 = vector.broadcast %broadcast_in_dim3A_82 : f32 to vector<32x64xf32>
    %slice3A_84 = vector.extract_strided_slice %add3A_81 {offsets = [0, 0], sizes = [2016, 64], strides = [1, 1]} : vector<2048x64xf32> to vector<2016x64xf32>
    %concatenate3A_85 = tpu.concatenate %broadcast_in_dim3A_83, %slice3A_84 in 0 : vector<32x64xf32>, vector<2016x64xf32> -> vector<2048x64xf32>
    %add3A_86 = arith.addf %add3A_81, %concatenate3A_85 : vector<2048x64xf32>
    %broadcast_in_dim3A_87 = arith.constant 0.000000e+00 : f32
    %broadcast_in_dim3A_88 = vector.broadcast %broadcast_in_dim3A_87 : f32 to vector<64x64xf32>
    %slice3A_89 = vector.extract_strided_slice %add3A_86 {offsets = [0, 0], sizes = [1984, 64], strides = [1, 1]} : vector<2048x64xf32> to vector<1984x64xf32>
    %concatenate3A_90 = tpu.concatenate %broadcast_in_dim3A_88, %slice3A_89 in 0 : vector<64x64xf32>, vector<1984x64xf32> -> vector<2048x64xf32>
    %add3A_91 = arith.addf %add3A_86, %concatenate3A_90 : vector<2048x64xf32>
    %broadcast_in_dim3A_92 = arith.constant 0.000000e+00 : f32
    %broadcast_in_dim3A_93 = vector.broadcast %broadcast_in_dim3A_92 : f32 to vector<128x64xf32>
    %slice3A_94 = vector.extract_strided_slice %add3A_91 {offsets = [0, 0], sizes = [1920, 64], strides = [1, 1]} : vector<2048x64xf32> to vector<1920x64xf32>
    %concatenate3A_95 = tpu.concatenate %broadcast_in_dim3A_93, %slice3A_94 in 0 : vector<128x64xf32>, vector<1920x64xf32> -> vector<2048x64xf32>
    %add3A_96 = arith.addf %add3A_91, %concatenate3A_95 : vector<2048x64xf32>
    %broadcast_in_dim3A_97 = arith.constant 0.000000e+00 : f32
    %broadcast_in_dim3A_98 = vector.broadcast %broadcast_in_dim3A_97 : f32 to vector<256x64xf32>
    %slice3A_99 = vector.extract_strided_slice %add3A_96 {offsets = [0, 0], sizes = [1792, 64], strides = [1, 1]} : vector<2048x64xf32> to vector<1792x64xf32>
    %concatenate3A_100 = tpu.concatenate %broadcast_in_dim3A_98, %slice3A_99 in 0 : vector<256x64xf32>, vector<1792x64xf32> -> vector<2048x64xf32>
    %add3A_101 = arith.addf %add3A_96, %concatenate3A_100 : vector<2048x64xf32>
    %broadcast_in_dim3A_102 = arith.constant 0.000000e+00 : f32
    %broadcast_in_dim3A_103 = vector.broadcast %broadcast_in_dim3A_102 : f32 to vector<512x64xf32>
    %slice3A_104 = vector.extract_strided_slice %add3A_101 {offsets = [0, 0], sizes = [1536, 64], strides = [1, 1]} : vector<2048x64xf32> to vector<1536x64xf32>
    %concatenate3A_105 = tpu.concatenate %broadcast_in_dim3A_103, %slice3A_104 in 0 : vector<512x64xf32>, vector<1536x64xf32> -> vector<2048x64xf32>
    %add3A_106 = arith.addf %add3A_101, %concatenate3A_105 : vector<2048x64xf32>
    %broadcast_in_dim3A_107 = arith.constant 0.000000e+00 : f32
    %broadcast_in_dim3A_108 = vector.broadcast %broadcast_in_dim3A_107 : f32 to vector<1024x64xf32>
    %slice3A_109 = vector.extract_strided_slice %add3A_106 {offsets = [0, 0], sizes = [1024, 64], strides = [1, 1]} : vector<2048x64xf32> to vector<1024x64xf32>
    %concatenate3A_110 = tpu.concatenate %broadcast_in_dim3A_108, %slice3A_109 in 0 : vector<1024x64xf32>, vector<1024x64xf32> -> vector<2048x64xf32>
    %add3A_111 = arith.addf %add3A_106, %concatenate3A_110 : vector<2048x64xf32>
    %sub3A_112 = arith.subf %add3A_111, %convert_element_type3A_58 : vector<2048x64xf32>
    %reduce_sum3A_113 = arith.constant dense<0.000000e+00> : vector<64xf32>
    %reduce_sum3A_114 = vector.multi_reduction <add>, %convert_element_type3A_58, %reduce_sum3A_113 [0] : vector<2048x64xf32> to vector<64xf32>
    %broadcast_in_dim3A_115 = vector.shape_cast %reduce_sum3A_114 : vector<64xf32> to vector<1x64xf32>
    %convert_element_type3A_116 = arith.fptosi %broadcast_in_dim3A_115 : vector<1x64xf32> to vector<1x64xi32>
    %add3A_117 = arith.constant 7 : i32
    %add3A_118 = vector.broadcast %add3A_117 : i32 to vector<1x64xi32>
    %add3A_119 = arith.addi %convert_element_type3A_116, %add3A_118 : vector<1x64xi32>
    %jit3A_120 = arith.constant 8 : i32
    %div3A_121 = vector.broadcast %jit3A_120 : i32 to vector<1x64xi32>
    %div3A_122 = arith.divsi %add3A_119, %div3A_121 : vector<1x64xi32>
    %sign3A = arith.constant 0 : i32
    %sign3A_123 = vector.broadcast %sign3A : i32 to vector<1x64xi32>
    %sign3A_124 = arith.cmpi sgt, %add3A_119, %sign3A_123 : vector<1x64xi32>
    %sign3A_125 = arith.extui %sign3A_124 : vector<1x64xi1> to vector<1x64xi32>
    %sign3A_126 = arith.constant 0 : i32
    %sign3A_127 = vector.broadcast %sign3A_126 : i32 to vector<1x64xi32>
    %sign3A_128 = arith.cmpi slt, %add3A_119, %sign3A_127 : vector<1x64xi32>
    %sign3A_129 = arith.extui %sign3A_128 : vector<1x64xi1> to vector<1x64xi32>
    %sign3A_130 = arith.subi %sign3A_125, %sign3A_129 : vector<1x64xi32>
    %sign3A_131 = arith.constant 0 : i32
    %sign3A_132 = arith.cmpi sgt, %jit3A_120, %sign3A_131 : i32
    %sign3A_133 = arith.extui %sign3A_132 : i1 to i32
    %sign3A_134 = arith.constant 0 : i32
    %sign3A_135 = arith.cmpi slt, %jit3A_120, %sign3A_134 : i32
    %sign3A_136 = arith.extui %sign3A_135 : i1 to i32
    %sign3A_137 = arith.subi %sign3A_133, %sign3A_136 : i32
    %ne3A = vector.broadcast %sign3A_137 : i32 to vector<1x64xi32>
    %ne3A_138 = arith.cmpi ne, %sign3A_130, %ne3A : vector<1x64xi32>
    %rem3A = vector.broadcast %jit3A_120 : i32 to vector<1x64xi32>
    %rem3A_139 = arith.remsi %add3A_119, %rem3A : vector<1x64xi32>
    %ne3A_140 = arith.constant 0 : i32
    %ne3A_141 = vector.broadcast %ne3A_140 : i32 to vector<1x64xi32>
    %ne3A_142 = arith.cmpi ne, %rem3A_139, %ne3A_141 : vector<1x64xi32>
    %and3A = arith.andi %ne3A_138, %ne3A_142 : vector<1x64xi1>
    %sub3A_143 = arith.constant 1 : i32
    %sub3A_144 = vector.broadcast %sub3A_143 : i32 to vector<1x64xi32>
    %sub3A_145 = arith.subi %div3A_122, %sub3A_144 : vector<1x64xi32>
    %select_n3A_146 = arith.select %and3A, %sub3A_145, %div3A_122 : vector<1x64xi1>, vector<1x64xi32>
    %mul3A_147 = arith.constant 8 : i32
    %mul3A_148 = vector.broadcast %mul3A_147 : i32 to vector<1x64xi32>
    %mul3A_149 = arith.muli %select_n3A_146, %mul3A_148 : vector<1x64xi32>
    %add3A_150 = arith.constant 128 : i32
    %add3A_151 = vector.broadcast %add3A_150 : i32 to vector<1x64xi32>
    %add3A_152 = arith.addi %convert_element_type3A_116, %add3A_151 : vector<1x64xi32>
    %sub3A_153 = arith.constant 1 : i32
    %sub3A_154 = vector.broadcast %sub3A_153 : i32 to vector<1x64xi32>
    %sub3A_155 = arith.subi %add3A_152, %sub3A_154 : vector<1x64xi32>
    %jit3A_156 = arith.constant 128 : i32
    %div3A_157 = vector.broadcast %jit3A_156 : i32 to vector<1x64xi32>
    %div3A_158 = arith.divsi %sub3A_155, %div3A_157 : vector<1x64xi32>
    %sign3A_159 = arith.constant 0 : i32
    %sign3A_160 = vector.broadcast %sign3A_159 : i32 to vector<1x64xi32>
    %sign3A_161 = arith.cmpi sgt, %sub3A_155, %sign3A_160 : vector<1x64xi32>
    %sign3A_162 = arith.extui %sign3A_161 : vector<1x64xi1> to vector<1x64xi32>
    %sign3A_163 = arith.constant 0 : i32
    %sign3A_164 = vector.broadcast %sign3A_163 : i32 to vector<1x64xi32>
    %sign3A_165 = arith.cmpi slt, %sub3A_155, %sign3A_164 : vector<1x64xi32>
    %sign3A_166 = arith.extui %sign3A_165 : vector<1x64xi1> to vector<1x64xi32>
    %sign3A_167 = arith.subi %sign3A_162, %sign3A_166 : vector<1x64xi32>
    %sign3A_168 = arith.constant 0 : i32
    %sign3A_169 = arith.cmpi sgt, %jit3A_156, %sign3A_168 : i32
    %sign3A_170 = arith.extui %sign3A_169 : i1 to i32
    %sign3A_171 = arith.constant 0 : i32
    %sign3A_172 = arith.cmpi slt, %jit3A_156, %sign3A_171 : i32
    %sign3A_173 = arith.extui %sign3A_172 : i1 to i32
    %sign3A_174 = arith.subi %sign3A_170, %sign3A_173 : i32
    %ne3A_175 = vector.broadcast %sign3A_174 : i32 to vector<1x64xi32>
    %ne3A_176 = arith.cmpi ne, %sign3A_167, %ne3A_175 : vector<1x64xi32>
    %rem3A_177 = vector.broadcast %jit3A_156 : i32 to vector<1x64xi32>
    %rem3A_178 = arith.remsi %sub3A_155, %rem3A_177 : vector<1x64xi32>
    %ne3A_179 = arith.constant 0 : i32
    %ne3A_180 = vector.broadcast %ne3A_179 : i32 to vector<1x64xi32>
    %ne3A_181 = arith.cmpi ne, %rem3A_178, %ne3A_180 : vector<1x64xi32>
    %and3A_182 = arith.andi %ne3A_176, %ne3A_181 : vector<1x64xi1>
    %sub3A_183 = arith.constant 1 : i32
    %sub3A_184 = vector.broadcast %sub3A_183 : i32 to vector<1x64xi32>
    %sub3A_185 = arith.subi %div3A_158, %sub3A_184 : vector<1x64xi32>
    %select_n3A_186 = arith.select %and3A_182, %sub3A_185, %div3A_158 : vector<1x64xi1>, vector<1x64xi32>
    %iota3A_187 = tpu.iota {dimensions = array<i32: 0>} : vector<64x64xi32>
    %iota3A_188 = tpu.iota {dimensions = array<i32: 1>} : vector<64x64xi32>
    %le3A = arith.cmpi sle, %iota3A_187, %iota3A_188 : vector<64x64xi32>
    %convert_element_type3A_189 = arith.extui %le3A : vector<64x64xi1> to vector<64x64xi32>
    %convert_element_type3A_190 = arith.sitofp %convert_element_type3A_189 : vector<64x64xi32> to vector<64x64xf32>
    %lt3A = arith.cmpi slt, %iota3A_187, %iota3A_188 : vector<64x64xi32>
    %convert_element_type3A_191 = arith.extui %lt3A : vector<64x64xi1> to vector<64x64xi32>
    %convert_element_type3A_192 = arith.sitofp %convert_element_type3A_191 : vector<64x64xi32> to vector<64x64xf32>
    %convert_element_type3A_193 = arith.sitofp %select_n3A_186 : vector<1x64xi32> to vector<1x64xf32>
    %dot_general3A_194 = arith.constant dense<0.000000e+00> : vector<1x64xf32>
    %dot_general3A_195 = tpu.matmul %convert_element_type3A_193, %convert_element_type3A_190, %dot_general3A_194 {dimension_numbers = #tpu.dot_dimension_numbers<[1], [0], [0], [1], [0, 0, 1, 1], [], []>, transpose_lhs_hint = false} : vector<1x64xf32>, vector<64x64xf32>, vector<1x64xf32> -> vector<1x64xf32>
    %convert_element_type3A_196 = arith.fptosi %dot_general3A_195 : vector<1x64xf32> to vector<1x64xi32>
    %convert_element_type3A_197 = arith.sitofp %mul3A_149 : vector<1x64xi32> to vector<1x64xf32>
    %dot_general3A_198 = arith.constant dense<0.000000e+00> : vector<1x64xf32>
    %dot_general3A_199 = tpu.matmul %convert_element_type3A_197, %convert_element_type3A_192, %dot_general3A_198 {dimension_numbers = #tpu.dot_dimension_numbers<[1], [0], [0], [1], [0, 0, 1, 1], [], []>, transpose_lhs_hint = false} : vector<1x64xf32>, vector<64x64xf32>, vector<1x64xf32> -> vector<1x64xf32>
    %reduce_sum3A_200 = vector.shape_cast %select_n3A_186 : vector<1x64xi32> to vector<1x1x64xi32>
    %reduce_sum3A_201 = arith.constant dense<0> : vector<1xi32>
    %reduce_sum3A_202 = vector.multi_reduction <add>, %reduce_sum3A_200, %reduce_sum3A_201 [1, 2] : vector<1x1x64xi32> to vector<1xi32>
    %reduce_sum3A_203 = vector.shape_cast %reduce_sum3A_202 : vector<1xi32> to vector<1x1x1xi32>
    %reduce_sum3A_204 = vector.extract %reduce_sum3A_203[0, 0, 0] : i32 from vector<1x1x1xi32>
    %reshape3A_205 = vector.broadcast %reduce_sum3A_204 : i32 to vector<1x1xi32>
    %swap3A_206 = arith.constant 0 : index
    %swap3A_207 = arith.constant 0 : index
    %swap3A_208 = vector.load %arg6[%swap3A_206, %swap3A_207] : memref<1x1xi32, #tpu.memory_space<vmem>>, vector<1x1xi32>
    tpu.vector_store %arg6[%swap3A_206, %swap3A_207], %reshape3A_205 {strides = array<i32>} : memref<1x1xi32, #tpu.memory_space<vmem>>, vector<1x1xi32>,
    %mul3A_209 = vector.broadcast %dot_general3A_199 : vector<1x64xf32> to vector<2048x64xf32>
    %mul3A_210 = arith.mulf %convert_element_type3A_58, %mul3A_209 : vector<2048x64xf32>
    %reduce_sum3A_211 = arith.constant dense<0.000000e+00> : vector<2048xf32>
    %reduce_sum3A_212 = vector.multi_reduction <add>, %mul3A_210, %reduce_sum3A_211 [1] : vector<2048x64xf32> to vector<2048xf32>
    %broadcast_in_dim3A_213 = vector.shape_cast %reduce_sum3A_212 : vector<2048xf32> to vector<2048x1xf32>
    %mul3A_214 = arith.mulf %convert_element_type3A_58, %sub3A_112 : vector<2048x64xf32>
    %reduce_sum3A_215 = arith.constant dense<0.000000e+00> : vector<2048xf32>
    %reduce_sum3A_216 = vector.multi_reduction <add>, %mul3A_214, %reduce_sum3A_215 [1] : vector<2048x64xf32> to vector<2048xf32>
    %broadcast_in_dim3A_217 = vector.shape_cast %reduce_sum3A_216 : vector<2048xf32> to vector<2048x1xf32>
    %add3A_218 = arith.addf %broadcast_in_dim3A_213, %broadcast_in_dim3A_217 : vector<2048x1xf32>
    %convert_element_type3A_219 = arith.fptosi %add3A_218 : vector<2048x1xf32> to vector<2048x1xi32>
    %swap3A_220 = arith.constant 0 : index
    %swap3A_221 = arith.constant 0 : index
    %swap3A_222 = vector.load %arg3[%swap3A_220, %swap3A_221] : memref<2048x1xi32, #tpu.memory_space<vmem>>, vector<2048x1xi32>
    tpu.vector_store %arg3[%swap3A_220, %swap3A_221], %convert_element_type3A_219 {strides = array<i32>} : memref<2048x1xi32, #tpu.memory_space<vmem>>, vector<2048x1xi32>,
    %iota3A_223 = tpu.iota {dimensions = array<i32: 0>} : vector<80x1xi32>
    %sub3A_224 = arith.constant 1 : i32
    %sub3A_225 = arith.subi %reduce_sum3A_204, %sub3A_224 : i32
    %min3A = vector.broadcast %sub3A_225 : i32 to vector<80x1xi32>
    %min3A_226 = arith.minsi %iota3A_223, %min3A : vector<80x1xi32>
    %le3A_227 = vector.broadcast %convert_element_type3A_196 : vector<1x64xi32> to vector<80x64xi32>
    %le3A_228 = vector.broadcast %min3A_226 : vector<80x1xi32> to vector<80x64xi32>
    %le3A_229 = arith.cmpi sle, %le3A_227, %le3A_228 : vector<80x64xi32>
    %convert_element_type3A_230 = arith.extui %le3A_229 : vector<80x64xi1> to vector<80x64xi32>
    %reduce_sum3A_231 = arith.constant dense<0> : vector<80xi32>
    %reduce_sum3A_232 = vector.multi_reduction <add>, %convert_element_type3A_230, %reduce_sum3A_231 [1] : vector<80x64xi32> to vector<80xi32>
    %broadcast_in_dim3A_233 = vector.shape_cast %reduce_sum3A_232 : vector<80xi32> to vector<80x1xi32>
    %swap3A_234 = arith.constant 0 : index
    %swap3A_235 = arith.constant 0 : index
    %swap3A_236 = vector.load %arg4[%swap3A_234, %swap3A_235] : memref<80x1xi32, #tpu.memory_space<vmem>>, vector<80x1xi32>
    tpu.vector_store %arg4[%swap3A_234, %swap3A_235], %broadcast_in_dim3A_233 {strides = array<i32>} : memref<80x1xi32, #tpu.memory_space<vmem>>, vector<80x1xi32>,
    %mul3A_237 = vector.broadcast %select_n3A_186 : vector<1x64xi32> to vector<80x64xi32>
    %mul3A_238 = arith.muli %convert_element_type3A_230, %mul3A_237 : vector<80x64xi32>
    %reduce_sum3A_239 = arith.constant dense<0> : vector<80xi32>
    %reduce_sum3A_240 = vector.multi_reduction <add>, %mul3A_238, %reduce_sum3A_239 [1] : vector<80x64xi32> to vector<80xi32>
    %broadcast_in_dim3A_241 = vector.shape_cast %reduce_sum3A_240 : vector<80xi32> to vector<80x1xi32>
    %sub3A_242 = arith.subi %min3A_226, %broadcast_in_dim3A_241 : vector<80x1xi32>
    %mul3A_243 = vector.broadcast %mul3A_149 : vector<1x64xi32> to vector<80x64xi32>
    %mul3A_244 = arith.muli %convert_element_type3A_230, %mul3A_243 : vector<80x64xi32>
    %reduce_sum3A_245 = arith.constant dense<0> : vector<80xi32>
    %reduce_sum3A_246 = vector.multi_reduction <add>, %mul3A_244, %reduce_sum3A_245 [1] : vector<80x64xi32> to vector<80xi32>
    %broadcast_in_dim3A_247 = vector.shape_cast %reduce_sum3A_246 : vector<80xi32> to vector<80x1xi32>
    %mul3A_248 = arith.constant 128 : i32
    %mul3A_249 = vector.broadcast %mul3A_248 : i32 to vector<80x1xi32>
    %mul3A_250 = arith.muli %sub3A_242, %mul3A_249 : vector<80x1xi32>
    %add3A_251 = arith.addi %broadcast_in_dim3A_247, %mul3A_250 : vector<80x1xi32>
    %swap3A_252 = arith.constant 0 : index
    %swap3A_253 = arith.constant 0 : index
    %swap3A_254 = vector.load %arg5[%swap3A_252, %swap3A_253] : memref<80x1xi32, #tpu.memory_space<vmem>>, vector<80x1xi32>
    tpu.vector_store %arg5[%swap3A_252, %swap3A_253], %add3A_251 {strides = array<i32>} : memref<80x1xi32, #tpu.memory_space<vmem>>, vector<80x1xi32>,
    return
  }
}

module attributes {stable_mosaic.version = 14 : i64} {
  func.func @_ffn_body(%arg0: i32, %arg1: memref<80x1xi32, #tpu.memory_space<smem>>, %arg2: memref<80x1xi32, #tpu.memory_space<smem>>, %arg3: memref<1x1xi32, #tpu.memory_space<smem>>, %arg4: memref<2624x768xf32, #tpu.memory_space<vmem>>, %arg5: memref<768x64xf32, #tpu.memory_space<vmem>>, %arg6: memref<1x64xf32, #tpu.memory_space<vmem>>, %arg7: memref<1x768x1024xf32, #tpu.memory_space<vmem>>, %arg8: memref<1x1x1024xf32, #tpu.memory_space<vmem>>, %arg9: memref<1x1024x768xf32, #tpu.memory_space<vmem>>, %arg10: memref<1x1x768xf32, #tpu.memory_space<vmem>>, %arg11: memref<2624x768xf32, #tpu.memory_space<vmem>>) attributes {dimension_semantics = [#tpu.dimension_semantics<arbitrary>], iteration_bounds = array<i64: 80>, scalar_prefetch = 3 : i64, scratch_operands = 0 : i64, tpu.core_type = #tpu.core_type<tc>, window_params = [{pipeline_mode = #tpu.pipeline_mode<synchronous>, transform_indices = @transform_0, window_bounds = array<i64: 2624, 768>}, {pipeline_mode = #tpu.pipeline_mode<synchronous>, transform_indices = @transform_1, window_bounds = array<i64: 768, 64>}, {pipeline_mode = #tpu.pipeline_mode<synchronous>, transform_indices = @transform_2, window_bounds = array<i64: 1, 64>}, {transform_indices = @transform_3, window_bounds = array<i64: 1, 768, 1024>}, {transform_indices = @transform_4, window_bounds = array<i64: 1, 1, 1024>}, {transform_indices = @transform_5, window_bounds = array<i64: 1, 1024, 768>}, {transform_indices = @transform_6, window_bounds = array<i64: 1, 1, 768>}, {pipeline_mode = #tpu.pipeline_mode<synchronous>, transform_indices = @transform_7, window_bounds = array<i64: 2624, 768>}]} {
    %get3A = arith.constant 0 : index
    %get3A_0 = arith.constant 0 : index
    %get3A_1 = memref.load %arg3[%get3A, %get3A_0] : memref<1x1xi32, #tpu.memory_space<smem>>
    %lt3A = arith.cmpi slt, %arg0, %get3A_1 : i32
    %convert_element_type3A = arith.extui %lt3A : i1 to i32
    %cond3A = arith.constant 0 : i32
    %cond3A_2 = arith.cmpi ne, %convert_element_type3A, %cond3A : i32
    scf.if %cond3A_2 {
      %get3A_3 = arith.index_cast %arg0 : i32 to index
      %get3A_4 = arith.constant 0 : index
      %get3A_5 = memref.load %arg2[%get3A_3, %get3A_4] : memref<80x1xi32, #tpu.memory_space<smem>>
      %multiple_of3A = tpu.assume_multiple %get3A_5, 8 : i32
      %get3A_6 = arith.index_cast %multiple_of3A : i32 to index
      %get3A_7 = arith.constant 0 : index
      %get3A_8 = vector.load %arg4[%get3A_6, %get3A_7] : memref<2624x768xf32, #tpu.memory_space<vmem>>, vector<128x768xf32>
      %get3A_9 = arith.constant 0 : index
      %get3A_10 = arith.constant 0 : index
      %get3A_11 = vector.load %arg5[%get3A_9, %get3A_10] : memref<768x64xf32, #tpu.memory_space<vmem>>, vector<768x64xf32>
      %dot_general3A = arith.constant dense<0.000000e+00> : vector<128x64xf32>
      %dot_general3A_12 = tpu.matmul %get3A_8, %get3A_11, %dot_general3A {dimension_numbers = #tpu.dot_dimension_numbers<[1], [0], [0], [1], [0, 0, 1, 1], [], []>, transpose_lhs_hint = false} : vector<128x768xf32>, vector<768x64xf32>, vector<128x64xf32> -> vector<128x64xf32>
      %get3A_13 = arith.constant 0 : index
      %get3A_14 = arith.constant 0 : index
      %get3A_15 = vector.load %arg6[%get3A_13, %get3A_14] : memref<1x64xf32, #tpu.memory_space<vmem>>, vector<1x64xf32>
      %add3A = vector.broadcast %get3A_15 : vector<1x64xf32> to vector<128x64xf32>
      %add3A_16 = arith.addf %dot_general3A_12, %add3A : vector<128x64xf32>
      %reduce_max3A = arith.constant dense<0xFF800000> : vector<128xf32>
      %reduce_max3A_17 = vector.multi_reduction <maximumf>, %add3A_16, %reduce_max3A [1] : vector<128x64xf32> to vector<128xf32>
      %broadcast_in_dim3A = vector.shape_cast %reduce_max3A_17 : vector<128xf32> to vector<128x1xf32>
      %sub3A = vector.broadcast %broadcast_in_dim3A : vector<128x1xf32> to vector<128x64xf32>
      %sub3A_18 = arith.subf %add3A_16, %sub3A : vector<128x64xf32>
      %exp3A = math.exp %sub3A_18 : vector<128x64xf32>
      %reduce_max3A_19 = arith.constant dense<0xFF800000> : vector<128xf32>
      %reduce_max3A_20 = vector.multi_reduction <maximumf>, %exp3A, %reduce_max3A_19 [1] : vector<128x64xf32> to vector<128xf32>
      %broadcast_in_dim3A_21 = vector.shape_cast %reduce_max3A_20 : vector<128xf32> to vector<128x1xf32>
      %reduce_sum3A = arith.constant dense<0.000000e+00> : vector<128xf32>
      %reduce_sum3A_22 = vector.multi_reduction <add>, %exp3A, %reduce_sum3A [1] : vector<128x64xf32> to vector<128xf32>
      %broadcast_in_dim3A_23 = vector.shape_cast %reduce_sum3A_22 : vector<128xf32> to vector<128x1xf32>
      %div3A = arith.divf %broadcast_in_dim3A_21, %broadcast_in_dim3A_23 : vector<128x1xf32>
      %get3A_24 = arith.constant 0 : index
      %get3A_25 = arith.constant 0 : index
      %get3A_26 = arith.constant 0 : index
      %get3A_27 = vector.load %arg7[%get3A_24, %get3A_25, %get3A_26] : memref<1x768x1024xf32, #tpu.memory_space<vmem>>, vector<1x768x1024xf32>
      %get3A_28 = vector.shape_cast %get3A_27 : vector<1x768x1024xf32> to vector<768x1024xf32>
      %dot_general3A_29 = arith.constant dense<0.000000e+00> : vector<128x1024xf32>
      %dot_general3A_30 = tpu.matmul %get3A_8, %get3A_28, %dot_general3A_29 {dimension_numbers = #tpu.dot_dimension_numbers<[1], [0], [0], [1], [0, 0, 1, 1], [], []>, transpose_lhs_hint = false} : vector<128x768xf32>, vector<768x1024xf32>, vector<128x1024xf32> -> vector<128x1024xf32>
      %get3A_31 = arith.constant 0 : index
      %get3A_32 = arith.constant 0 : index
      %get3A_33 = arith.constant 0 : index
      %get3A_34 = vector.load %arg8[%get3A_31, %get3A_32, %get3A_33] : memref<1x1x1024xf32, #tpu.memory_space<vmem>>, vector<1x1x1024xf32>
      %get3A_35 = vector.shape_cast %get3A_34 : vector<1x1x1024xf32> to vector<1x1024xf32>
      %add3A_36 = vector.broadcast %get3A_35 : vector<1x1024xf32> to vector<128x1024xf32>
      %add3A_37 = arith.addf %dot_general3A_30, %add3A_36 : vector<128x1024xf32>
      %logistic3A = arith.negf %add3A_37 : vector<128x1024xf32>
      %logistic3A_38 = math.exp %logistic3A : vector<128x1024xf32>
      %logistic3A_39 = arith.constant 1.000000e+00 : f32
      %logistic3A_40 = vector.broadcast %logistic3A_39 : f32 to vector<128x1024xf32>
      %logistic3A_41 = arith.addf %logistic3A_40, %logistic3A_38 : vector<128x1024xf32>
      %logistic3A_42 = arith.divf %logistic3A_40, %logistic3A_41 : vector<128x1024xf32>
      %mul3A = arith.mulf %add3A_37, %logistic3A_42 : vector<128x1024xf32>
      %get3A_43 = arith.constant 0 : index
      %get3A_44 = arith.constant 0 : index
      %get3A_45 = arith.constant 0 : index
      %get3A_46 = vector.load %arg9[%get3A_43, %get3A_44, %get3A_45] : memref<1x1024x768xf32, #tpu.memory_space<vmem>>, vector<1x1024x768xf32>
      %get3A_47 = vector.shape_cast %get3A_46 : vector<1x1024x768xf32> to vector<1024x768xf32>
      %dot_general3A_48 = arith.constant dense<0.000000e+00> : vector<128x768xf32>
      %dot_general3A_49 = tpu.matmul %mul3A, %get3A_47, %dot_general3A_48 {dimension_numbers = #tpu.dot_dimension_numbers<[1], [0], [0], [1], [0, 0, 1, 1], [], []>, transpose_lhs_hint = false} : vector<128x1024xf32>, vector<1024x768xf32>, vector<128x768xf32> -> vector<128x768xf32>
      %get3A_50 = arith.constant 0 : index
      %get3A_51 = arith.constant 0 : index
      %get3A_52 = arith.constant 0 : index
      %get3A_53 = vector.load %arg10[%get3A_50, %get3A_51, %get3A_52] : memref<1x1x768xf32, #tpu.memory_space<vmem>>, vector<1x1x768xf32>
      %get3A_54 = vector.shape_cast %get3A_53 : vector<1x1x768xf32> to vector<1x768xf32>
      %add3A_55 = vector.broadcast %get3A_54 : vector<1x768xf32> to vector<128x768xf32>
      %add3A_56 = arith.addf %dot_general3A_49, %add3A_55 : vector<128x768xf32>
      %mul3A_57 = vector.broadcast %div3A : vector<128x1xf32> to vector<128x768xf32>
      %mul3A_58 = arith.mulf %add3A_56, %mul3A_57 : vector<128x768xf32>
      %swap3A = arith.index_cast %multiple_of3A : i32 to index
      %swap3A_59 = arith.constant 0 : index
      %swap3A_60 = vector.load %arg11[%swap3A, %swap3A_59] : memref<2624x768xf32, #tpu.memory_space<vmem>>, vector<128x768xf32>
      tpu.vector_store %arg11[%swap3A, %swap3A_59], %mul3A_58 {strides = array<i32>} : memref<2624x768xf32, #tpu.memory_space<vmem>>, vector<128x768xf32>,
    } else {
    }
    return
  }
  func.func @transform_0(%arg0: i32, %arg1: memref<80x1xi32, #tpu.memory_space<smem>>, %arg2: memref<80x1xi32, #tpu.memory_space<smem>>, %arg3: memref<1x1xi32, #tpu.memory_space<smem>>) -> (i32, i32) {
    %c0_i32 = arith.constant 0 : i32
    %c0_i32_0 = arith.constant 0 : i32
    %c0_i32_1 = arith.constant 0 : i32
    return %c0_i32, %c0_i32_0 : i32, i32
  }
  func.func @transform_1(%arg0: i32, %arg1: memref<80x1xi32, #tpu.memory_space<smem>>, %arg2: memref<80x1xi32, #tpu.memory_space<smem>>, %arg3: memref<1x1xi32, #tpu.memory_space<smem>>) -> (i32, i32) {
    %c0_i32 = arith.constant 0 : i32
    %c0_i32_0 = arith.constant 0 : i32
    %c0_i32_1 = arith.constant 0 : i32
    return %c0_i32, %c0_i32_0 : i32, i32
  }
  func.func @transform_2(%arg0: i32, %arg1: memref<80x1xi32, #tpu.memory_space<smem>>, %arg2: memref<80x1xi32, #tpu.memory_space<smem>>, %arg3: memref<1x1xi32, #tpu.memory_space<smem>>) -> (i32, i32) {
    %c0_i32 = arith.constant 0 : i32
    %c0_i32_0 = arith.constant 0 : i32
    %c0_i32_1 = arith.constant 0 : i32
    return %c0_i32, %c0_i32_0 : i32, i32
  }
  func.func @transform_3(%arg0: i32, %arg1: memref<80x1xi32, #tpu.memory_space<smem>>, %arg2: memref<80x1xi32, #tpu.memory_space<smem>>, %arg3: memref<1x1xi32, #tpu.memory_space<smem>>) -> (i32, i32, i32) {
    %get3A = arith.index_cast %arg0 : i32 to index
    %get3A_0 = arith.constant 0 : index
    %get3A_1 = memref.load %arg1[%get3A, %get3A_0] : memref<80x1xi32, #tpu.memory_space<smem>>
    %c0_i32 = arith.constant 0 : i32
    %c0_i32_2 = arith.constant 0 : i32
    %c0_i32_3 = arith.constant 0 : i32
    return %get3A_1, %c0_i32, %c0_i32_2 : i32, i32, i32
  }
  func.func @transform_4(%arg0: i32, %arg1: memref<80x1xi32, #tpu.memory_space<smem>>, %arg2: memref<80x1xi32, #tpu.memory_space<smem>>, %arg3: memref<1x1xi32, #tpu.memory_space<smem>>) -> (i32, i32, i32) {
    %get3A = arith.index_cast %arg0 : i32 to index
    %get3A_0 = arith.constant 0 : index
    %get3A_1 = memref.load %arg1[%get3A, %get3A_0] : memref<80x1xi32, #tpu.memory_space<smem>>
    %c0_i32 = arith.constant 0 : i32
    %c0_i32_2 = arith.constant 0 : i32
    %c0_i32_3 = arith.constant 0 : i32
    return %get3A_1, %c0_i32, %c0_i32_2 : i32, i32, i32
  }
  func.func @transform_5(%arg0: i32, %arg1: memref<80x1xi32, #tpu.memory_space<smem>>, %arg2: memref<80x1xi32, #tpu.memory_space<smem>>, %arg3: memref<1x1xi32, #tpu.memory_space<smem>>) -> (i32, i32, i32) {
    %get3A = arith.index_cast %arg0 : i32 to index
    %get3A_0 = arith.constant 0 : index
    %get3A_1 = memref.load %arg1[%get3A, %get3A_0] : memref<80x1xi32, #tpu.memory_space<smem>>
    %c0_i32 = arith.constant 0 : i32
    %c0_i32_2 = arith.constant 0 : i32
    %c0_i32_3 = arith.constant 0 : i32
    return %get3A_1, %c0_i32, %c0_i32_2 : i32, i32, i32
  }
  func.func @transform_6(%arg0: i32, %arg1: memref<80x1xi32, #tpu.memory_space<smem>>, %arg2: memref<80x1xi32, #tpu.memory_space<smem>>, %arg3: memref<1x1xi32, #tpu.memory_space<smem>>) -> (i32, i32, i32) {
    %get3A = arith.index_cast %arg0 : i32 to index
    %get3A_0 = arith.constant 0 : index
    %get3A_1 = memref.load %arg1[%get3A, %get3A_0] : memref<80x1xi32, #tpu.memory_space<smem>>
    %c0_i32 = arith.constant 0 : i32
    %c0_i32_2 = arith.constant 0 : i32
    %c0_i32_3 = arith.constant 0 : i32
    return %get3A_1, %c0_i32, %c0_i32_2 : i32, i32, i32
  }
  func.func @transform_7(%arg0: i32, %arg1: memref<80x1xi32, #tpu.memory_space<smem>>, %arg2: memref<80x1xi32, #tpu.memory_space<smem>>, %arg3: memref<1x1xi32, #tpu.memory_space<smem>>) -> (i32, i32) {
    %c0_i32 = arith.constant 0 : i32
    %c0_i32_0 = arith.constant 0 : i32
    %c0_i32_1 = arith.constant 0 : i32
    return %c0_i32, %c0_i32_0 : i32, i32
  }
}

</mosaic_0001>

<sc_bundles>
// kernel: kernel.6.cloned.1.call-start
scs
__scs_entry_jumppad:
0x0: {  	(pc) =	sbr.rel $0x88, $3  }
0x1: {  	(tag) =	ssettag $0x0;
	lr =	simm.s32 $0x1  }
0x2: {  	[smem:$0x3F9A] =	sst lr;
	_ =	strace $0xD0000000  }
0x3: {  	_ = 	snop  }
0x4: {  	_ = 	snop  }
0x5: {  	_ = 	snop  }
0x6: {  	_ = 	snop  }
0x7: {  	_ = 	snop  }
__scs_overlays_trampoline_lowered:
0x8: {  	[smem:$0x3FA9] =	sst s0  }
0x9: {  	[smem:$0x3FAA] =	sst s1  }
0xa: {  	[smem:$0x3FAB] =	sst s2  }
0xb: {  	[smem:$0x3FAC] =	sst s3  }
0xc: {  	[smem:$0x3FAD] =	sst s4  }
0xd: {  	[smem:$0x3FAE] =	sst s5  }
0xe: {  	[smem:$0x3FAF] =	sst s6  }
0xf: {  	[smem:$0x3FB0] =	sst s7  }
0x10: {  	[smem:$0x3FB1] =	sst s8  }
0x11: {  	[smem:$0x3FB2] =	sst s9;
	s0 =	simm.s32 @!p0 $0x0  }
0x12: {  	s1 =	sld [smem:$0x3F98];
	s0 =	simm.s32 @p0 $0x1  }
0x13: {  	[smem:$0x3FB3] =	sst s0;
	s0 =	simm.s32 @!p1 $0x0  }
0x14: {  	s2 =	sld [smem:$0x3F97];
	s0 =	simm.s32 @p1 $0x1  }
0x15: {  	[smem:$0x3FB4] =	sst s0;
	s0 =	simm.s32 @!p2 $0x0  }
0x16: {  	s3 =	sld [smem:$0x3FDB];
	s0 =	simm.s32 @p2 $0x1  }
0x17: {  	s4 =	simm.s32 $0x1BF5;
	[smem:$0x3FB6] =	sst s0  }
0x18: {  	s0 =	sld [smem:$0x3F99];
	_ =	swait.ge [sflag:s4], $0x0  }
0x19: {  	s7 =	sld [smem:$0x3F9A]  }
0x1a: {  	s8 =	sadd.s32 $0xFFFFE003, lr  }
0x1b: {  	s9 =	sadd.s32 $0xFFFFFEF7, lr;
	s5 =	simm.s32 $0xFFFFFFFF;
	p2 =	slt.u32 s8, $0xFFFFF086  }
0x1c: {  	p1 =	slt.u32 s9, $0xF7A;
	s5 =	simm.s32 @!p2 $0x0  }
0x1d: {  	s5 =	simm.s32 @p1 $0x1;
	p0 =	seq.s32 s7, s2  }
0x1e: {  	s7 =	smul.u32 @!p0 $0xF7A, s2;
	p2 =	seq.s32 @!p0 s5, $0x0  }
0x1f: {  	s9 =	smul.u32 $0xF7A, s1;
	s8 =	simm.s32 @!p0 $0x1BF5;
	p2 =	por !p2, p0  }
0x20: {  	[sflag:s8] =	ssyncset.s32 @!p0 $0xFFFFF086;
	s6 =	sadd.s32 @!p0 s3, s7;
	s7 =	simm.s32 @!p0 $0x108  }
0x21: {  	s3 =	sadd.s32 s3, s9;
	s6 =	sadd.s32 @!p0 $0x88, s6;
	s7 =	simm.s32 @p2 $0x1082  }
0x22: {  	[simem:s7], [sflag:s8] =	dma.local @!p0 [hbm:s6], $0xF7A  }
0x23: {  	s9 =	sor.u32 $0xD0000000, s2;
	s6 =	simm.s32 $0x108;
	_ =	swait.ge @!p0 [sflag:s8], $0x0  }
0x24: {  	s3 =	sadd.s32 $0x88, s3;
	s6 =	simm.s32 @!p1 $0x1082;
	[sflag:s4] =	ssyncset.s32 $0xFFFFF086  }
0x25: {  	[simem:s6], [sflag:s4] =	dma.local [hbm:s3], $0xF7A  }
0x26: {  	[smem:$0x3F9A] =	sst s1;
	(tag) =	ssettag s2;
	_ =	strace s9  }
0x27: {  	s1 =	sld [smem:$0x3FAA]  }
0x28: {  	s2 =	sld [smem:$0x3FAB]  }
0x29: {  	s4 =	sld [smem:$0x3FAD]  }
0x2a: {  	p0 =	seq.s32 s5, $0x0;
	s5 =	sld [smem:$0x3FAE]  }
0x2b: {  	s6 =	sld [smem:$0x3FAF]  }
0x2c: {  	s7 =	sld [smem:$0x3FB0]  }
0x2d: {  	s3 =	simm.s32 $0x108;
	s8 =	sld [smem:$0x3FB1]  }
0x2e: {  	s3 =	simm.s32 @!p0 $0x1082;
	s9 =	sld [smem:$0x3FB2]  }
0x2f: {  	lr =	sadd.s32 s0, s3;
	s0 =	sld [smem:$0x3FA9]  }
0x30: {  	s3 =	sld [smem:$0x3FAC]  }
0x31: {  	[smem:$0x3FB5] =	sst s10  }
0x32: {  	s10 =	sld [smem:$0x3FB3];
	_ =	sdelay $0x3  }
0x33: {  	p0 =	seq.s32 s10, $0x1;
	s10 =	sld [smem:$0x3FB5];
	_ =	sdelay $0x3  }
0x34: {  	[smem:$0x3FB5] =	sst s10  }
0x35: {  	s10 =	sld [smem:$0x3FB4];
	_ =	sdelay $0x3  }
0x36: {  	p1 =	seq.s32 s10, $0x1;
	s10 =	sld [smem:$0x3FB5];
	_ =	sdelay $0x3  }
0x37: {  	[smem:$0x3FB5] =	sst s10  }
0x38: {  	s10 =	sld [smem:$0x3FB6]  }
0x39: {  	_ = 	snop;
	(pc) =	sbr.ind lr, $3  }
0x3a: {  	_ = 	snop  }
0x3b: {  	_ = 	snop  }
0x3c: {  	p2 =	seq.s32 s10, $0x1;
	s10 =	sld [smem:$0x3FB5]  }
0x3d: {  	_ =	shalt  }
0x3e: {  	_ =	shalt  }
0x3f: {  	_ =	shalt  }
0x40: {  	_ =	shalt  }
0x41: {  	_ =	shalt  }
0x42: {  	_ =	shalt  }
0x43: {  	_ =	shalt  }
0x44: {  	_ =	shalt  }
0x45: {  	_ =	shalt  }
0x46: {  	_ =	shalt  }
0x47: {  	_ =	shalt  }
0x48: {  	_ =	shalt  }
0x49: {  	_ =	shalt  }
0x4a: {  	_ =	shalt  }
0x4b: {  	_ =	shalt  }
0x4c: {  	_ =	shalt  }
0x4d: {  	_ =	shalt  }
0x4e: {  	_ =	shalt  }
0x4f: {  	_ =	shalt  }
0x50: {  	_ =	shalt  }
0x51: {  	_ =	shalt  }
0x52: {  	_ =	shalt  }
0x53: {  	_ =	shalt  }
0x54: {  	_ =	shalt  }
0x55: {  	_ =	shalt  }
0x56: {  	_ =	shalt  }
0x57: {  	_ =	shalt  }
0x58: {  	_ =	shalt  }
0x59: {  	_ =	shalt  }
0x5a: {  	_ =	shalt  }
0x5b: {  	_ =	shalt  }
0x5c: {  	_ =	shalt  }
0x5d: {  	_ =	shalt  }
0x5e: {  	_ =	shalt  }
0x5f: {  	_ =	shalt  }
0x60: {  	_ =	shalt  }
0x61: {  	_ =	shalt  }
0x62: {  	_ =	shalt  }
0x63: {  	_ =	shalt  }
0x64: {  	_ =	shalt  }
0x65: {  	_ =	shalt  }
0x66: {  	_ =	shalt  }
0x67: {  	_ =	shalt  }
0x68: {  	_ =	shalt  }
0x69: {  	_ =	shalt  }
0x6a: {  	_ =	shalt  }
0x6b: {  	_ =	shalt  }
0x6c: {  	_ =	shalt  }
0x6d: {  	_ =	shalt  }
0x6e: {  	_ =	shalt  }
0x6f: {  	_ =	shalt  }
0x70: {  	_ =	shalt  }
0x71: {  	_ =	shalt  }
0x72: {  	_ =	shalt  }
0x73: {  	_ =	shalt  }
0x74: {  	_ =	shalt  }
0x75: {  	_ =	shalt  }
0x76: {  	_ =	shalt  }
0x77: {  	_ =	shalt  }
0x78: {  	_ =	shalt  }
0x79: {  	_ =	shalt  }
0x7a: {  	_ =	shalt  }
0x7b: {  	_ =	shalt  }
0x7c: {  	_ =	shalt  }
0x7d: {  	_ =	shalt  }
0x7e: {  	_ =	shalt  }
0x7f: {  	_ =	shalt  }
0x80: {  	_ =	shalt  }
0x81: {  	_ =	shalt  }
0x82: {  	_ =	shalt  }
0x83: {  	_ =	shalt  }
0x84: {  	_ =	shalt  }
0x85: {  	_ =	shalt  }
0x86: {  	_ =	shalt  }
0x87: {  	_ =	shalt  }
.Lfunc_end0:
.L_simem_size_0:
called_computation_lowered:
.L_overlay_start_0:
0x88: {  	s2 =	sld [smem:$0x3FD9]  }
0x89: {  	s3 =	sld [smem:$0x3FFE];
	_ =	sdelay $0x1  }
0x8a: {  	s1 =	srdreg.scid  }
0x8b: {  	s0 =	sand.u32 $0x1, s1  }
0x8c: {  	s17 =	sshll.u32 s0, $0xA;
	s2 =	sadd.s32 s3, s2  }
0x8d: {  	s2 =	sadd.s32 s2, s17  }
0x8e: {  	[smem:$0x3FC1] =	sst s2  }
0x8f: {  	_ = 	snop  }
0x90: {  	s2 =	sld [smem:$0x3FC9];
	(tm) =	ssettm $0x1  }
0x91: {  	s18 =	sld [smem:$0x3FFB];
	_ =	sdelay $0x3  }
0x92: {  	_ =	strace s18  }
0x93: {  	s3 =	sld [smem:$0x3FFC];
	_ =	sdelay $0x3  }
0x94: {  	_ =	strace s3  }
0x95: {  	s3 =	sld [smem:$0x3FFD];
	_ =	sdelay $0x3  }
0x96: {  	_ =	strace s3  }
0x97: {  	_ =	strace $0x8FFFFFFF  }
0x98: {  	s19 =	sld [smem:$0x3FDB];
	_ =	sdelay $0x1  }
0x99: {  	s4 =	simm.s32 $_scs_section_size  }
0x9a: {  	s5 =	simm.s32 $_size__tile_overlayer_lowered;
	s6 =	simm.s32 $_tile_overlayer_lowered  }
0x9b: {  	s22 =	simm.s32 $0x1BFF;
	s21 =	sshll.u32 s6, $0x1;
	s3 =	sadd.s32 s4, s19  }
0x9c: {  	s7 =	simm.s32 $0x0;
	s20 =	sshll.u32 s5, $0x1;
	s5 =	sadd.s32 s21, s3  }
0x9d: {  	[timem:s7], [sflag:s22] =	dma.local [hbm:s5], s20  }
0x9e: {  	_ =	swait.ge [sflag:s22], s20  }
0x9f: {  	s4 =	ssub.s32 $0x0, s20;
	[sflag:s22] =	ssyncset.done $0x0  }
0xa0: {  	[sflag:s22] =	ssyncadd.s32 s4;
	_ =	sdelay $0x1  }
0xa1: {  	s23 =	simm.s32 $0x1B8B  }
0xa2: {  	_ =	swait.ge [sflag:s23], $0x1  }
0xa3: {  	[sflag:s23] =	ssyncset.done $0x0  }
0xa4: {  	s25 =	simm.s32 $0x1B8E;
	s24 =	sld [smem:$0x3FFE];
	[sflag:s23] =	ssyncadd.s32 $0xFFFFFFFF  }
0xa5: {  	s26 =	simm.s32 $execute0_lowered;
	[smem:$0x3FD2] =	sst s25  }
0xa6: {  	s5 =	sshll.u32 s26, $0x1;
	_ =	strace $0x80000046;
	[dreg:$0x1] =	wrdreg $0xFFFFFFFF  }
0xa7: {  	s28 =	simm.s32 $_size_execute0_lowered;
	s3 =	sadd.s32 s3, s5;
	[dreg:$0x0] =	wrdreg $0x0  }
0xa8: {  	s5 =	sshll.u32 s28, $0x1;
	[dreg:$0x2] =	wrdreg s3  }
0xa9: {  	[dreg:$0x3] =	wrdreg s5  }
0xaa: {  	[dreg:$0x4] =	wrdreg $0xC0  }
0xab: {  	_ =	task [dreg:s7], $0x5FFFF  }
0xac: {  	[dreg:$0x1] =	wrdreg $0xFFFFFFFF  }
0xad: {  	[dreg:$0x0] =	wrdreg $0x60  }
0xae: {  	[dreg:$0x2] =	wrdreg s2  }
0xaf: {  	[dreg:$0x3] =	wrdreg s24  }
0xb0: {  	[dreg:$0x4] =	wrdreg $0x9  }
0xb1: {  	_ =	task.clear_ibuf [dreg:s7], $0x5FFFF;
	_ =	strace $0x90000046  }
0xb2: {  	s29 =	simm.s32 $0x9;
	_ =	strace $0x80000048  }
0xb3: {  	_ =	swait.ge [sflag:s29], $0x1  }
0xb4: {  	[sflag:s29] =	ssyncadd.s32 $0xFFFFFFFF  }
0xb5: {  	_ =	strace $0x90000048  }
0xb6: {  	_ =	sfence  }
0xb7: {  	s30 =	sld [smem:$0x0];
	_ =	sdelay $0x2  }
0xb8: {  	s31 =	sshll.u32 s1, $0xD;
	s1 =	sshrl.u32 s1, $0x2  }
0xb9: {  	s3 =	sand.u32 $0x4000, s31;
	s1 =	sadd.s32 s1, s30  }
0xba: {  	s0 =	sor.u32 s3, s0;
	s1 =	sshll.u32 s1, $0x11  }
0xbb: {  	s0 =	sor.u32 s1, s0  }
0xbc: {  	s0 =	sadd.s32 $0x8F2B, s0  }
0xbd: {  	[sflag:s0] =	ssyncadd.remote.s32 $0x1  }
0xbe: {  	_ =	sfence.sel $0xFFFF  }
0xbf: {  	[dreg:$0x0] =	wrdreg $0xFFFFFFFF;
	(pc) =	sbr.abs _section_cstart, $3  }
0xc0: {  	[dreg:$0x1] =	wrdreg $0xFFFFFFFF  }
0xc1: {  	_ =	task.clear_ibuf [dreg:s7], $0x2FFFF;
	_ =	strace $0x9FFFFFFF  }
0xc2: {  	(tm) =	ssettm $0x7FFFFFFF  }
0xc3: {  	_ =	shalt  }
tec
execute0_lowered:
.L_overlay_start_1:
0x0: {  	(tag) =	ssettag $0x1  }
0x1: {  	s1 =	srdreg.scid  }
0x2: {  	s3 =	rddreg [dreg:$0x0];
	s0 =	stileid.u32  }
0x3: {  	s5 =	rddreg [dreg:$0x1];
	s2 =	simm.s32 $0x0;
	s8 =	simm.s32 $0x80  }
0x4: {  	s26 =	simm.s32 $0x880;
	s9 =	simm.s32 $0x1080;
	s10 =	simm.s32 $0x1880  }
0x5: {  	s11 =	simm.s32 $0x2080;
	s12 =	simm.s32 $0x2880;
	s13 =	simm.s32 $0x3080  }
0x6: {  	s14 =	simm.s32 $0x3880;
	s15 =	simm.s32 $0x4080;
	s16 =	simm.s32 $0x4880  }
0x7: {  	s17 =	simm.s32 $0x5080;
	s18 =	simm.s32 $0x5880;
	s19 =	simm.s32 $0x6080  }
0x8: {  	s20 =	simm.s32 $0x6880;
	s21 =	simm.s32 $0x7080;
	s22 =	simm.s32 $0x7880  }
0x9: {  	s23 =	simm.s32 $0x8080;
	s24 =	simm.s32 $0x8880;
	s25 =	simm.s32 $0x9080  }
0xa: {  	s28 =	simm.s32 $0xA080;
	s29 =	simm.s32 $0xA880;
	s30 =	simm.s32 $0xB080  }
0xb: {  	s31 =	simm.s32 $0xB880;
	s1 =	sand.u32 $0x1, s1;
	[smem:$0x7FF] =	sst s2  }
0xc: {  	s4 =	sshll.u32 s0, $0x4;
	s6 =	sshll.u32 s1, $0x3;
	_ =	strace $0x80000047  }
0xd: {  	s1 =	ssub.s32 $0x2, s1;
	[dreg:$0x5] =	wrdreg s26;
	s4 =	sor.u32 s6, s4  }
0xe: {  	s7 =	sshrl.u32 s1, $0x1;
	s6 =	sadd.s32 s4, s5;
	s4 =	smul.u32 $0x300, s4  }
0xf: {  	s26 =	simm.s32 $0x9880;
	s1 =	ssub.s32 s1, s7;
	s6 =	sadd.s32 $0x1400, s6  }
0x10: {  	v2 =	vlaneseq.u32;
	s7 =	simm.s32 $0x2;
	[dreg:$0x3] =	wrdreg s6;
	s4 =	sadd.s32 s3, s4  }
0x11: {  	vm0 =	vmmov $0xffff;
	v1 =	vshrl.u32 v2, $0x3;
	s3 =	sadd.s32 $0x1600, s5;
	s6 =	smax.u32 s1, $0x1;
	s1 =	simm.s32 $0x1  }
0x12: {  	v0 =	vand.u32 $0x7, v2;
	v2 =	vor.u32 $0x8, v2;
	v1 =	vmul.u32 $0x8, v1;
	[dreg:$0x4] =	wrdreg s4;
	s4 =	sadd.s32 $0x1700, s5;
	s5 =	sadd.s32 $0x1800, s5  }
.LBB2_1:
0x13: {  	s0 =	rddreg [dreg:$0x3]  }
0x14: {  	[tilespmem:s2], [sflag:$0x2] =	stream.linear.gather [hbm4b:s0+s2], $0x40, $0x38;
	[tilespmem:$0xC080] =	vst v63  }
0x15: {  	_ =	swait.ge [sflag:s7], $0x40  }
0x16: {  	[sflag:s7] =	ssyncset.done $0x0  }
0x17: {  	s0 =	rddreg [dreg:$0x4];
	[sflag:s7] =	ssyncadd.s32 $0xFFFFFFC0  }
0x18: {  	[tilespmem:s8], [sflag:$0x2] =	stream.linear.gather [hbm4b:s0+s2], $0xC000, $0x38;
	[tilespmem:$0xC080] =	vst v63  }
0x19: {  	_ =	swait.ge [sflag:s7], $0xC000  }
0x1a: {  	[sflag:s7] =	ssyncset.done $0x0  }
0x1b: {  	[sflag:s7] =	ssyncadd.s32 $0xFFFF4000  }
0x1c: {  	v3 =	vld [tilespmem:$0x0];
	_ =	sdelay $0x4  }
0x1d: {  	v4 =	vshrl.u32 v3, $0x3  }
0x1e: {  	v4 =	vmul.u32 $0x30, v4  }
0x1f: {  	v3 =	vand.u32 $0x7, v3  }
0x20: {  	v3 =	vor.u32 v3, v4  }
0x21: {  	v4 =	vperm.xlane v3, v0;
	_ =	sdelay $0x1  }
0x22: {  	v4 =	vadd.s32 v1, v4;
	_ =	sdelay $0x3  }
0x23: {  	v3 =	vperm.xlane v3, v2  }
0x24: {  	[hbm4b:s3+s2] =	stream.indirect_vreg.scatter [tilespmem:s8], [sflag:$0x1], $0x80, v4, vm0, $0xb8;
	[tilespmem:$0xC080] =	vst v63  }
0x25: {  	s0 =	rddreg [dreg:$0x5];
	v3 =	vadd.s32 v1, v3  }
0x26: {  	[hbm4b:s4+s2] =	stream.indirect_vreg.scatter [tilespmem:s0], [sflag:$0x1], $0x80, v4, vm0, $0xb8;
	[tilespmem:$0xC080] =	vst v63  }
0x27: {  	_ = 	snop  }
0x28: {  	[hbm4b:s5+s2] =	stream.indirect_vreg.scatter [tilespmem:s9], [sflag:$0x1], $0x80, v4, vm0, $0xb8;
	[tilespmem:$0xC080] =	vst v63  }
0x29: {  	_ = 	snop  }
0x2a: {  	[hbm4b:s3+s2] =	stream.indirect_vreg.scatter [tilespmem:s10], [sflag:$0x1], $0x80, v3, vm0, $0xb8;
	[tilespmem:$0xC080] =	vst v63  }
0x2b: {  	_ = 	snop  }
0x2c: {  	[hbm4b:s4+s2] =	stream.indirect_vreg.scatter [tilespmem:s11], [sflag:$0x1], $0x80, v3, vm0, $0xb8;
	[tilespmem:$0xC080] =	vst v63  }
0x2d: {  	_ = 	snop  }
0x2e: {  	[hbm4b:s5+s2] =	stream.indirect_vreg.scatter [tilespmem:s12], [sflag:$0x1], $0x80, v3, vm0, $0xb8;
	[tilespmem:$0xC080] =	vst v63  }
0x2f: {  	v3 =	vld [tilespmem:$0x10];
	_ =	sdelay $0x4  }
0x30: {  	v61 =	vshrl.u32 v3, $0x3  }
0x31: {  	v4 =	vmul.u32 $0x30, v61  }
0x32: {  	v3 =	vand.u32 $0x7, v3  }
0x33: {  	v3 =	vor.u32 v3, v4  }
0x34: {  	v4 =	vperm.xlane v3, v0;
	_ =	sdelay $0x1  }
0x35: {  	v4 =	vadd.s32 v1, v4;
	_ =	sdelay $0x3  }
0x36: {  	v3 =	vperm.xlane v3, v2  }
0x37: {  	[hbm4b:s3+s2] =	stream.indirect_vreg.scatter [tilespmem:s13], [sflag:$0x1], $0x80, v4, vm0, $0xb8;
	[tilespmem:$0xC080] =	vst v63  }
0x38: {  	v3 =	vadd.s32 v1, v3  }
0x39: {  	[hbm4b:s4+s2] =	stream.indirect_vreg.scatter [tilespmem:s14], [sflag:$0x1], $0x80, v4, vm0, $0xb8;
	[tilespmem:$0xC080] =	vst v63  }
0x3a: {  	_ = 	snop  }
0x3b: {  	[hbm4b:s5+s2] =	stream.indirect_vreg.scatter [tilespmem:s15], [sflag:$0x1], $0x80, v4, vm0, $0xb8;
	[tilespmem:$0xC080] =	vst v63  }
0x3c: {  	_ = 	snop  }
0x3d: {  	[hbm4b:s3+s2] =	stream.indirect_vreg.scatter [tilespmem:s16], [sflag:$0x1], $0x80, v3, vm0, $0xb8;
	[tilespmem:$0xC080] =	vst v63  }
0x3e: {  	_ = 	snop  }
0x3f: {  	[hbm4b:s4+s2] =	stream.indirect_vreg.scatter [tilespmem:s17], [sflag:$0x1], $0x80, v3, vm0, $0xb8;
	[tilespmem:$0xC080] =	vst v63  }
0x40: {  	_ = 	snop  }
0x41: {  	[hbm4b:s5+s2] =	stream.indirect_vreg.scatter [tilespmem:s18], [sflag:$0x1], $0x80, v3, vm0, $0xb8;
	[tilespmem:$0xC080] =	vst v63  }
0x42: {  	v3 =	vld [tilespmem:$0x20];
	_ =	sdelay $0x4  }
0x43: {  	v62 =	vshrl.u32 v3, $0x3  }
0x44: {  	v4 =	vmul.u32 $0x30, v62  }
0x45: {  	v3 =	vand.u32 $0x7, v3  }
0x46: {  	v3 =	vor.u32 v3, v4  }
0x47: {  	v4 =	vperm.xlane v3, v0;
	_ =	sdelay $0x1  }
0x48: {  	v4 =	vadd.s32 v1, v4;
	_ =	sdelay $0x3  }
0x49: {  	v3 =	vperm.xlane v3, v2  }
0x4a: {  	[hbm4b:s3+s2] =	stream.indirect_vreg.scatter [tilespmem:s19], [sflag:$0x1], $0x80, v4, vm0, $0xb8;
	[tilespmem:$0xC080] =	vst v63  }
0x4b: {  	v3 =	vadd.s32 v1, v3  }
0x4c: {  	[hbm4b:s4+s2] =	stream.indirect_vreg.scatter [tilespmem:s20], [sflag:$0x1], $0x80, v4, vm0, $0xb8;
	[tilespmem:$0xC080] =	vst v63  }
0x4d: {  	_ = 	snop  }
0x4e: {  	[hbm4b:s5+s2] =	stream.indirect_vreg.scatter [tilespmem:s21], [sflag:$0x1], $0x80, v4, vm0, $0xb8;
	[tilespmem:$0xC080] =	vst v63  }
0x4f: {  	_ = 	snop  }
0x50: {  	[hbm4b:s3+s2] =	stream.indirect_vreg.scatter [tilespmem:s22], [sflag:$0x1], $0x80, v3, vm0, $0xb8;
	[tilespmem:$0xC080] =	vst v63  }
0x51: {  	_ = 	snop  }
0x52: {  	[hbm4b:s4+s2] =	stream.indirect_vreg.scatter [tilespmem:s23], [sflag:$0x1], $0x80, v3, vm0, $0xb8;
	[tilespmem:$0xC080] =	vst v63  }
0x53: {  	_ = 	snop  }
0x54: {  	[hbm4b:s5+s2] =	stream.indirect_vreg.scatter [tilespmem:s24], [sflag:$0x1], $0x80, v3, vm0, $0xb8;
	[tilespmem:$0xC080] =	vst v63  }
0x55: {  	v3 =	vld [tilespmem:$0x30];
	_ =	sdelay $0x4  }
0x56: {  	v63 =	vshrl.u32 v3, $0x3  }
0x57: {  	v4 =	vmul.u32 $0x30, v63  }
0x58: {  	v3 =	vand.u32 $0x7, v3  }
0x59: {  	v3 =	vor.u32 v3, v4  }
0x5a: {  	v4 =	vperm.xlane v3, v0;
	_ =	sdelay $0x1  }
0x5b: {  	v4 =	vadd.s32 v1, v4;
	_ =	sdelay $0x3  }
0x5c: {  	v3 =	vperm.xlane v3, v2  }
0x5d: {  	[hbm4b:s3+s2] =	stream.indirect_vreg.scatter [tilespmem:s25], [sflag:$0x1], $0x80, v4, vm0, $0xb8;
	[tilespmem:$0xC080] =	vst v63  }
0x5e: {  	v3 =	vadd.s32 v1, v3  }
0x5f: {  	[hbm4b:s4+s2] =	stream.indirect_vreg.scatter [tilespmem:s26], [sflag:$0x1], $0x80, v4, vm0, $0xb8;
	[tilespmem:$0xC080] =	vst v63  }
0x60: {  	_ = 	snop  }
0x61: {  	[hbm4b:s5+s2] =	stream.indirect_vreg.scatter [tilespmem:s28], [sflag:$0x1], $0x80, v4, vm0, $0xb8;
	[tilespmem:$0xC080] =	vst v63  }
0x62: {  	_ = 	snop  }
0x63: {  	[hbm4b:s3+s2] =	stream.indirect_vreg.scatter [tilespmem:s29], [sflag:$0x1], $0x80, v3, vm0, $0xb8;
	[tilespmem:$0xC080] =	vst v63  }
0x64: {  	p0 =	sne.s32 s6, $0x1  }
0x65: {  	[hbm4b:s4+s2] =	stream.indirect_vreg.scatter [tilespmem:s30], [sflag:$0x1], $0x80, v3, vm0, $0xb8;
	[tilespmem:$0xC080] =	vst v63  }
.Ltmp0:
0x66: {  	_ = 	snop;
	(pc) =	sbr.rel @p0 .LBB2_1-.Ltmp0, $4  }
0x67: {  	[hbm4b:s5+s2] =	stream.indirect_vreg.scatter [tilespmem:s31], [sflag:$0x1], $0x80, v3, vm0, $0xb8;
	[tilespmem:$0xC080] =	vst v63  }
0x68: {  	_ =	swait.ge [sflag:s1], $0xC000  }
0x69: {  	[sflag:s1] =	ssyncset.done $0x0  }
0x6a: {  	s6 =	sadd.s32 $0xFFFFFFFF, s6;
	[sflag:s1] =	ssyncadd.s32 $0xFFFF4000  }
0x6b: {  	_ =	sfence.sel $0x180000  }
0x6c: {  	[bflag:$0x0] =	sbarrier.arrive $0xFFFF  }
0x6d: {  	_ =	strace $0x90000047  }
0x6e: {  	s0 =	stileid.u32;
	[bflag:$0x2] =	sbarrier.arrive $0xFFFF  }
0x6f: {  	p0 =	sne.s32 s0, $0x0;
	s0 =	rddreg [dreg:$0x2]  }
0x70: {  	s0 =	sadd.s32 @!p0 $0x100000, s0  }
0x71: {  	[sflag:s0] =	ssyncadd.tile.s32 @!p0 $0x1;
	_ =	shalt  }
.Lfunc_end2:
_tile_overlayer_lowered:
.L_overlay_start_2:
0x72: {  	(tag) =	ssettag $0x2  }
0x73: {  	s0 =	rddreg [dreg:$0x0];
	s2 =	stileid.u32  }
0x74: {  	s1 =	rddreg [dreg:$0x1];
	p0 =	sne.s32 s2, $0x0  }
0x75: {  	s3 =	rddreg [dreg:$0x2];
	[bflag:$0x3] =	sbarrier.arrive $0xFFFF;
	s2 =	simm.s32 @!p0 $0x1C02  }
0x76: {  	[timem:s3], [sflag:s2] =	dma.local @!p0 [hbm:s0], s1  }
0x77: {  	s0 =	simm.s32 @!p0 $0x2  }
0x78: {  	_ =	swait.ge @!p0 [sflag:s0], s1  }
0x79: {  	s1 =	ssub.s32 @!p0 $0x0, s1;
	[sflag:s0] =	ssyncset.done @!p0 $0x0  }
0x7a: {  	[sflag:s0] =	ssyncadd.s32 @!p0 s1  }
0x7b: {  	[bflag:$0x3] =	sbarrier.arrive $0xFFFF  }
0x7c: {  	_ =	shalt  }

// kernel: kernel.9.cloned.1.call-start
scs
__scs_entry_jumppad:
0x0: {  	(pc) =	sbr.rel $0x88, $3  }
0x1: {  	(tag) =	ssettag $0x0;
	lr =	simm.s32 $0x1  }
0x2: {  	[smem:$0x3F9A] =	sst lr;
	_ =	strace $0xD0000000  }
0x3: {  	_ = 	snop  }
0x4: {  	_ = 	snop  }
0x5: {  	_ = 	snop  }
0x6: {  	_ = 	snop  }
0x7: {  	_ = 	snop  }
__scs_overlays_trampoline_lowered:
0x8: {  	[smem:$0x3FA9] =	sst s0  }
0x9: {  	[smem:$0x3FAA] =	sst s1  }
0xa: {  	[smem:$0x3FAB] =	sst s2  }
0xb: {  	[smem:$0x3FAC] =	sst s3  }
0xc: {  	[smem:$0x3FAD] =	sst s4  }
0xd: {  	[smem:$0x3FAE] =	sst s5  }
0xe: {  	[smem:$0x3FAF] =	sst s6  }
0xf: {  	[smem:$0x3FB0] =	sst s7  }
0x10: {  	[smem:$0x3FB1] =	sst s8  }
0x11: {  	[smem:$0x3FB2] =	sst s9;
	s0 =	simm.s32 @!p0 $0x0  }
0x12: {  	s1 =	sld [smem:$0x3F98];
	s0 =	simm.s32 @p0 $0x1  }
0x13: {  	[smem:$0x3FB3] =	sst s0;
	s0 =	simm.s32 @!p1 $0x0  }
0x14: {  	s2 =	sld [smem:$0x3F97];
	s0 =	simm.s32 @p1 $0x1  }
0x15: {  	[smem:$0x3FB4] =	sst s0;
	s0 =	simm.s32 @!p2 $0x0  }
0x16: {  	s3 =	sld [smem:$0x3FDB];
	s0 =	simm.s32 @p2 $0x1  }
0x17: {  	s4 =	simm.s32 $0x1BF5;
	[smem:$0x3FB6] =	sst s0  }
0x18: {  	s0 =	sld [smem:$0x3F99];
	_ =	swait.ge [sflag:s4], $0x0  }
0x19: {  	s7 =	sld [smem:$0x3F9A]  }
0x1a: {  	s8 =	sadd.s32 $0xFFFFE003, lr  }
0x1b: {  	s9 =	sadd.s32 $0xFFFFFEF7, lr;
	s5 =	simm.s32 $0xFFFFFFFF;
	p2 =	slt.u32 s8, $0xFFFFF086  }
0x1c: {  	p1 =	slt.u32 s9, $0xF7A;
	s5 =	simm.s32 @!p2 $0x0  }
0x1d: {  	s5 =	simm.s32 @p1 $0x1;
	p0 =	seq.s32 s7, s2  }
0x1e: {  	s7 =	smul.u32 @!p0 $0xF7A, s2;
	p2 =	seq.s32 @!p0 s5, $0x0  }
0x1f: {  	s9 =	smul.u32 $0xF7A, s1;
	s8 =	simm.s32 @!p0 $0x1BF5;
	p2 =	por !p2, p0  }
0x20: {  	[sflag:s8] =	ssyncset.s32 @!p0 $0xFFFFF086;
	s6 =	sadd.s32 @!p0 s3, s7;
	s7 =	simm.s32 @!p0 $0x108  }
0x21: {  	s3 =	sadd.s32 s3, s9;
	s6 =	sadd.s32 @!p0 $0x88, s6;
	s7 =	simm.s32 @p2 $0x1082  }
0x22: {  	[simem:s7], [sflag:s8] =	dma.local @!p0 [hbm:s6], $0xF7A  }
0x23: {  	s9 =	sor.u32 $0xD0000000, s2;
	s6 =	simm.s32 $0x108;
	_ =	swait.ge @!p0 [sflag:s8], $0x0  }
0x24: {  	s3 =	sadd.s32 $0x88, s3;
	s6 =	simm.s32 @!p1 $0x1082;
	[sflag:s4] =	ssyncset.s32 $0xFFFFF086  }
0x25: {  	[simem:s6], [sflag:s4] =	dma.local [hbm:s3], $0xF7A  }
0x26: {  	[smem:$0x3F9A] =	sst s1;
	(tag) =	ssettag s2;
	_ =	strace s9  }
0x27: {  	s1 =	sld [smem:$0x3FAA]  }
0x28: {  	s2 =	sld [smem:$0x3FAB]  }
0x29: {  	s4 =	sld [smem:$0x3FAD]  }
0x2a: {  	p0 =	seq.s32 s5, $0x0;
	s5 =	sld [smem:$0x3FAE]  }
0x2b: {  	s6 =	sld [smem:$0x3FAF]  }
0x2c: {  	s7 =	sld [smem:$0x3FB0]  }
0x2d: {  	s3 =	simm.s32 $0x108;
	s8 =	sld [smem:$0x3FB1]  }
0x2e: {  	s3 =	simm.s32 @!p0 $0x1082;
	s9 =	sld [smem:$0x3FB2]  }
0x2f: {  	lr =	sadd.s32 s0, s3;
	s0 =	sld [smem:$0x3FA9]  }
0x30: {  	s3 =	sld [smem:$0x3FAC]  }
0x31: {  	[smem:$0x3FB5] =	sst s10  }
0x32: {  	s10 =	sld [smem:$0x3FB3];
	_ =	sdelay $0x3  }
0x33: {  	p0 =	seq.s32 s10, $0x1;
	s10 =	sld [smem:$0x3FB5];
	_ =	sdelay $0x3  }
0x34: {  	[smem:$0x3FB5] =	sst s10  }
0x35: {  	s10 =	sld [smem:$0x3FB4];
	_ =	sdelay $0x3  }
0x36: {  	p1 =	seq.s32 s10, $0x1;
	s10 =	sld [smem:$0x3FB5];
	_ =	sdelay $0x3  }
0x37: {  	[smem:$0x3FB5] =	sst s10  }
0x38: {  	s10 =	sld [smem:$0x3FB6]  }
0x39: {  	_ = 	snop;
	(pc) =	sbr.ind lr, $3  }
0x3a: {  	_ = 	snop  }
0x3b: {  	_ = 	snop  }
0x3c: {  	p2 =	seq.s32 s10, $0x1;
	s10 =	sld [smem:$0x3FB5]  }
0x3d: {  	_ =	shalt  }
0x3e: {  	_ =	shalt  }
0x3f: {  	_ =	shalt  }
0x40: {  	_ =	shalt  }
0x41: {  	_ =	shalt  }
0x42: {  	_ =	shalt  }
0x43: {  	_ =	shalt  }
0x44: {  	_ =	shalt  }
0x45: {  	_ =	shalt  }
0x46: {  	_ =	shalt  }
0x47: {  	_ =	shalt  }
0x48: {  	_ =	shalt  }
0x49: {  	_ =	shalt  }
0x4a: {  	_ =	shalt  }
0x4b: {  	_ =	shalt  }
0x4c: {  	_ =	shalt  }
0x4d: {  	_ =	shalt  }
0x4e: {  	_ =	shalt  }
0x4f: {  	_ =	shalt  }
0x50: {  	_ =	shalt  }
0x51: {  	_ =	shalt  }
0x52: {  	_ =	shalt  }
0x53: {  	_ =	shalt  }
0x54: {  	_ =	shalt  }
0x55: {  	_ =	shalt  }
0x56: {  	_ =	shalt  }
0x57: {  	_ =	shalt  }
0x58: {  	_ =	shalt  }
0x59: {  	_ =	shalt  }
0x5a: {  	_ =	shalt  }
0x5b: {  	_ =	shalt  }
0x5c: {  	_ =	shalt  }
0x5d: {  	_ =	shalt  }
0x5e: {  	_ =	shalt  }
0x5f: {  	_ =	shalt  }
0x60: {  	_ =	shalt  }
0x61: {  	_ =	shalt  }
0x62: {  	_ =	shalt  }
0x63: {  	_ =	shalt  }
0x64: {  	_ =	shalt  }
0x65: {  	_ =	shalt  }
0x66: {  	_ =	shalt  }
0x67: {  	_ =	shalt  }
0x68: {  	_ =	shalt  }
0x69: {  	_ =	shalt  }
0x6a: {  	_ =	shalt  }
0x6b: {  	_ =	shalt  }
0x6c: {  	_ =	shalt  }
0x6d: {  	_ =	shalt  }
0x6e: {  	_ =	shalt  }
0x6f: {  	_ =	shalt  }
0x70: {  	_ =	shalt  }
0x71: {  	_ =	shalt  }
0x72: {  	_ =	shalt  }
0x73: {  	_ =	shalt  }
0x74: {  	_ =	shalt  }
0x75: {  	_ =	shalt  }
0x76: {  	_ =	shalt  }
0x77: {  	_ =	shalt  }
0x78: {  	_ =	shalt  }
0x79: {  	_ =	shalt  }
0x7a: {  	_ =	shalt  }
0x7b: {  	_ =	shalt  }
0x7c: {  	_ =	shalt  }
0x7d: {  	_ =	shalt  }
0x7e: {  	_ =	shalt  }
0x7f: {  	_ =	shalt  }
0x80: {  	_ =	shalt  }
0x81: {  	_ =	shalt  }
0x82: {  	_ =	shalt  }
0x83: {  	_ =	shalt  }
0x84: {  	_ =	shalt  }
0x85: {  	_ =	shalt  }
0x86: {  	_ =	shalt  }
0x87: {  	_ =	shalt  }
.Lfunc_end0:
.L_simem_size_0:
called_computation.1_lowered:
.L_overlay_start_0:
0x88: {  	s2 =	sld [smem:$0x3FD9]  }
0x89: {  	s3 =	sld [smem:$0x3FFE];
	_ =	sdelay $0x1  }
0x8a: {  	s1 =	srdreg.scid  }
0x8b: {  	s0 =	sand.u32 $0x1, s1  }
0x8c: {  	s14 =	sshll.u32 s0, $0xA;
	s2 =	sadd.s32 s3, s2  }
0x8d: {  	s2 =	sadd.s32 s2, s14  }
0x8e: {  	[smem:$0x3FC1] =	sst s2  }
0x8f: {  	_ = 	snop  }
0x90: {  	s2 =	sld [smem:$0x3FD0];
	_ =	sdelay $0x2  }
0x91: {  	s15 =	simm.s32 $0xA;
	s4 =	simm.s32 $0x10  }
0x92: {  	[smem:s4], [sflag:s15] =	dma.local [hbm:s2], $0x1  }
0x93: {  	_ =	swait.eq [sflag:s15], $0x1  }
0x94: {  	[sflag:s15] =	ssyncset.done $0x0  }
0x95: {  	[sflag:s15] =	ssyncadd.s32 $0xFFFFFFFF  }
0x96: {  	s16 =	sld [smem:$0x10];
	(tm) =	ssettm $0x1  }
0x97: {  	s17 =	sld [smem:$0x3FFB];
	_ =	sdelay $0x3  }
0x98: {  	_ =	strace s17  }
0x99: {  	s3 =	sld [smem:$0x3FFC];
	_ =	sdelay $0x3  }
0x9a: {  	_ =	strace s3  }
0x9b: {  	s3 =	sld [smem:$0x3FFD];
	_ =	sdelay $0x3  }
0x9c: {  	_ =	strace s3  }
0x9d: {  	_ =	strace $0x8FFFFFFF  }
0x9e: {  	s18 =	sld [smem:$0x3FDB];
	_ =	sdelay $0x1  }
0x9f: {  	s19 =	simm.s32 $_scs_section_size  }
0xa0: {  	s5 =	simm.s32 $_size__tile_overlayer_lowered;
	s6 =	simm.s32 $_tile_overlayer_lowered  }
0xa1: {  	s22 =	simm.s32 $0x1BFF;
	s21 =	sshll.u32 s6, $0x1;
	s3 =	sadd.s32 s19, s18  }
0xa2: {  	s7 =	simm.s32 $0x0;
	s20 =	sshll.u32 s5, $0x1;
	s5 =	sadd.s32 s21, s3  }
0xa3: {  	[timem:s7], [sflag:s22] =	dma.local [hbm:s5], s20  }
0xa4: {  	_ =	swait.ge [sflag:s22], s20  }
0xa5: {  	s4 =	ssub.s32 $0x0, s20;
	[sflag:s22] =	ssyncset.done $0x0  }
0xa6: {  	[sflag:s22] =	ssyncadd.s32 s4;
	_ =	sdelay $0x1  }
0xa7: {  	s23 =	simm.s32 $0x1B8B  }
0xa8: {  	_ =	swait.ge [sflag:s23], $0x1  }
0xa9: {  	[sflag:s23] =	ssyncset.done $0x0  }
0xaa: {  	s25 =	simm.s32 $0x1B8E;
	s24 =	sld [smem:$0x3FFE];
	[sflag:s23] =	ssyncadd.s32 $0xFFFFFFFF  }
0xab: {  	s26 =	simm.s32 $execute0_lowered;
	[smem:$0x3FD2] =	sst s25  }
0xac: {  	s5 =	sshll.u32 s26, $0x1;
	_ =	strace $0x80000049;
	[dreg:$0x1] =	wrdreg $0xFFFFFFFF  }
0xad: {  	s28 =	simm.s32 $_size_execute0_lowered;
	s3 =	sadd.s32 s3, s5;
	[dreg:$0x0] =	wrdreg $0x0  }
0xae: {  	s5 =	sshll.u32 s28, $0x1;
	[dreg:$0x2] =	wrdreg s3  }
0xaf: {  	[dreg:$0x3] =	wrdreg s5  }
0xb0: {  	[dreg:$0x4] =	wrdreg $0xC0  }
0xb1: {  	_ =	task [dreg:s7], $0x5FFFF  }
0xb2: {  	[dreg:$0x1] =	wrdreg $0xFFFFFFFF  }
0xb3: {  	[dreg:$0x0] =	wrdreg $0x60  }
0xb4: {  	[dreg:$0x2] =	wrdreg s24  }
0xb5: {  	[dreg:$0x3] =	wrdreg s16  }
0xb6: {  	[dreg:$0x4] =	wrdreg $0x9  }
0xb7: {  	_ =	task.clear_ibuf [dreg:s7], $0x5FFFF;
	_ =	strace $0x90000049  }
0xb8: {  	s29 =	simm.s32 $0x9;
	_ =	strace $0x8000004B  }
0xb9: {  	_ =	swait.ge [sflag:s29], $0x1  }
0xba: {  	[sflag:s29] =	ssyncadd.s32 $0xFFFFFFFF  }
0xbb: {  	_ =	strace $0x9000004B  }
0xbc: {  	_ =	sfence  }
0xbd: {  	s30 =	sld [smem:$0x0];
	_ =	sdelay $0x2  }
0xbe: {  	s31 =	sshll.u32 s1, $0xD;
	s1 =	sshrl.u32 s1, $0x2  }
0xbf: {  	s3 =	sand.u32 $0x4000, s31;
	s1 =	sadd.s32 s1, s30  }
0xc0: {  	s0 =	sor.u32 s3, s0;
	s1 =	sshll.u32 s1, $0x11  }
0xc1: {  	s0 =	sor.u32 s1, s0  }
0xc2: {  	s0 =	sadd.s32 $0x8F2B, s0  }
0xc3: {  	[sflag:s0] =	ssyncadd.remote.s32 $0x1  }
0xc4: {  	_ =	sfence.sel $0xFFFF  }
0xc5: {  	[dreg:$0x0] =	wrdreg $0xFFFFFFFF;
	(pc) =	sbr.abs _section_cstart, $3  }
0xc6: {  	[dreg:$0x1] =	wrdreg $0xFFFFFFFF  }
0xc7: {  	_ =	task.clear_ibuf [dreg:s7], $0x2FFFF;
	_ =	strace $0x9FFFFFFF  }
0xc8: {  	(tm) =	ssettm $0x7FFFFFFF  }
0xc9: {  	_ =	shalt  }
tec
execute0_lowered:
.L_overlay_start_1:
0x0: {  	(tag) =	ssettag $0x1  }
0x1: {  	s0 =	rddreg [dreg:$0x0]  }
0x2: {  	s5 =	rddreg [dreg:$0x1];
	s3 =	srdreg.scid  }
0x3: {  	s2 =	simm.s32 $0x0;
	s1 =	stileid.u32;
	s26 =	simm.s32 $0x880  }
0x4: {  	s10 =	simm.s32 $0x1880;
	s11 =	simm.s32 $0x2080;
	s12 =	simm.s32 $0x2880  }
0x5: {  	s13 =	simm.s32 $0x3080;
	s14 =	simm.s32 $0x3880;
	s15 =	simm.s32 $0x4080  }
0x6: {  	s16 =	simm.s32 $0x4880;
	s17 =	simm.s32 $0x5080;
	s18 =	simm.s32 $0x5880  }
0x7: {  	s19 =	simm.s32 $0x6080;
	s20 =	simm.s32 $0x6880;
	s21 =	simm.s32 $0x7080  }
0x8: {  	s22 =	simm.s32 $0x7880;
	s28 =	simm.s32 $0xA080;
	s29 =	simm.s32 $0xA880  }
0x9: {  	s30 =	simm.s32 $0xB080;
	s31 =	simm.s32 $0xB880;
	s3 =	sand.u32 $0x1, s3  }
0xa: {  	[smem:$0x7FF] =	sst s2;
	s4 =	sshll.u32 s1, $0x4;
	s6 =	sshll.u32 s3, $0x3  }
0xb: {  	_ =	strace $0x8000004A;
	s23 =	ssub.s32 $0x2, s3;
	s3 =	sadd.s32 $0x1600, s0  }
0xc: {  	[dreg:$0x5] =	wrdreg s26;
	s26 =	simm.s32 $0x9880;
	s4 =	sor.u32 s6, s4  }
0xd: {  	s8 =	sshrl.u32 s23, $0x1;
	s7 =	sadd.s32 s4, s0;
	s9 =	smul.u32 $0x300, s4  }
0xe: {  	s6 =	ssub.s32 s23, s8;
	s4 =	sadd.s32 $0x1700, s0;
	s8 =	simm.s32 $0x80  }
0xf: {  	s23 =	simm.s32 $0x8080;
	s24 =	sadd.s32 $0x1400, s7;
	s6 =	smax.u32 s6, $0x1  }
0x10: {  	v2 =	vlaneseq.u32;
	s7 =	simm.s32 $0x2;
	[dreg:$0x3] =	wrdreg s24;
	s25 =	sadd.s32 s5, s9  }
0x11: {  	vm0 =	vmmov $0xffff;
	v1 =	vshrl.u32 v2, $0x3;
	s5 =	sadd.s32 $0x1800, s0;
	s9 =	simm.s32 $0x1080;
	s24 =	simm.s32 $0x8880  }
0x12: {  	v0 =	vand.u32 $0x7, v2;
	v2 =	vor.u32 $0x8, v2;
	v1 =	vmul.u32 $0x8, v1;
	s0 =	simm.s32 $0x1;
	[dreg:$0x4] =	wrdreg s25;
	s25 =	simm.s32 $0x9080  }
.LBB2_1:
0x13: {  	s1 =	rddreg [dreg:$0x3]  }
0x14: {  	[tilespmem:s2], [sflag:$0x2] =	stream.linear.gather [hbm4b:s1+s2], $0x40, $0x38;
	[tilespmem:$0xC080] =	vst v63  }
0x15: {  	_ =	swait.ge [sflag:s7], $0x40  }
0x16: {  	[sflag:s7] =	ssyncset.done $0x0  }
0x17: {  	[sflag:s7] =	ssyncadd.s32 $0xFFFFFFC0  }
0x18: {  	v3 =	vld [tilespmem:$0x0];
	_ =	sdelay $0x4  }
0x19: {  	v4 =	vshrl.u32 v3, $0x3  }
0x1a: {  	v4 =	vmul.u32 $0x30, v4  }
0x1b: {  	v3 =	vand.u32 $0x7, v3  }
0x1c: {  	v3 =	vor.u32 v3, v4  }
0x1d: {  	v4 =	vperm.xlane v3, v0;
	_ =	sdelay $0x1  }
0x1e: {  	v4 =	vadd.s32 v1, v4;
	_ =	sdelay $0x3  }
0x1f: {  	v3 =	vperm.xlane v3, v2  }
0x20: {  	[tilespmem:s8], [sflag:$0x1] =	stream.indirect_vreg.gather [hbm4b:s3+s2], $0x80, v4, vm0, $0xb8;
	[tilespmem:$0xC080] =	vst v63  }
0x21: {  	s1 =	rddreg [dreg:$0x5];
	v3 =	vadd.s32 v1, v3  }
0x22: {  	[tilespmem:s1], [sflag:$0x1] =	stream.indirect_vreg.gather [hbm4b:s4+s2], $0x80, v4, vm0, $0xb8;
	[tilespmem:$0xC080] =	vst v63  }
0x23: {  	_ = 	snop  }
0x24: {  	[tilespmem:s9], [sflag:$0x1] =	stream.indirect_vreg.gather [hbm4b:s5+s2], $0x80, v4, vm0, $0xb8;
	[tilespmem:$0xC080] =	vst v63  }
0x25: {  	_ = 	snop  }
0x26: {  	[tilespmem:s10], [sflag:$0x1] =	stream.indirect_vreg.gather [hbm4b:s3+s2], $0x80, v3, vm0, $0xb8;
	[tilespmem:$0xC080] =	vst v63  }
0x27: {  	_ = 	snop  }
0x28: {  	[tilespmem:s11], [sflag:$0x1] =	stream.indirect_vreg.gather [hbm4b:s4+s2], $0x80, v3, vm0, $0xb8;
	[tilespmem:$0xC080] =	vst v63  }
0x29: {  	_ = 	snop  }
0x2a: {  	[tilespmem:s12], [sflag:$0x1] =	stream.indirect_vreg.gather [hbm4b:s5+s2], $0x80, v3, vm0, $0xb8;
	[tilespmem:$0xC080] =	vst v63  }
0x2b: {  	v3 =	vld [tilespmem:$0x10];
	_ =	sdelay $0x4  }
0x2c: {  	v61 =	vshrl.u32 v3, $0x3  }
0x2d: {  	v4 =	vmul.u32 $0x30, v61  }
0x2e: {  	v3 =	vand.u32 $0x7, v3  }
0x2f: {  	v3 =	vor.u32 v3, v4  }
0x30: {  	v4 =	vperm.xlane v3, v0;
	_ =	sdelay $0x1  }
0x31: {  	v4 =	vadd.s32 v1, v4;
	_ =	sdelay $0x3  }
0x32: {  	v3 =	vperm.xlane v3, v2  }
0x33: {  	[tilespmem:s13], [sflag:$0x1] =	stream.indirect_vreg.gather [hbm4b:s3+s2], $0x80, v4, vm0, $0xb8;
	[tilespmem:$0xC080] =	vst v63  }
0x34: {  	v3 =	vadd.s32 v1, v3  }
0x35: {  	[tilespmem:s14], [sflag:$0x1] =	stream.indirect_vreg.gather [hbm4b:s4+s2], $0x80, v4, vm0, $0xb8;
	[tilespmem:$0xC080] =	vst v63  }
0x36: {  	_ = 	snop  }
0x37: {  	[tilespmem:s15], [sflag:$0x1] =	stream.indirect_vreg.gather [hbm4b:s5+s2], $0x80, v4, vm0, $0xb8;
	[tilespmem:$0xC080] =	vst v63  }
0x38: {  	_ = 	snop  }
0x39: {  	[tilespmem:s16], [sflag:$0x1] =	stream.indirect_vreg.gather [hbm4b:s3+s2], $0x80, v3, vm0, $0xb8;
	[tilespmem:$0xC080] =	vst v63  }
0x3a: {  	_ = 	snop  }
0x3b: {  	[tilespmem:s17], [sflag:$0x1] =	stream.indirect_vreg.gather [hbm4b:s4+s2], $0x80, v3, vm0, $0xb8;
	[tilespmem:$0xC080] =	vst v63  }
0x3c: {  	_ = 	snop  }
0x3d: {  	[tilespmem:s18], [sflag:$0x1] =	stream.indirect_vreg.gather [hbm4b:s5+s2], $0x80, v3, vm0, $0xb8;
	[tilespmem:$0xC080] =	vst v63  }
0x3e: {  	v3 =	vld [tilespmem:$0x20];
	_ =	sdelay $0x4  }
0x3f: {  	v62 =	vshrl.u32 v3, $0x3  }
0x40: {  	v4 =	vmul.u32 $0x30, v62  }
0x41: {  	v3 =	vand.u32 $0x7, v3  }
0x42: {  	v3 =	vor.u32 v3, v4  }
0x43: {  	v4 =	vperm.xlane v3, v0;
	_ =	sdelay $0x1  }
0x44: {  	v4 =	vadd.s32 v1, v4;
	_ =	sdelay $0x3  }
0x45: {  	v3 =	vperm.xlane v3, v2  }
0x46: {  	[tilespmem:s19], [sflag:$0x1] =	stream.indirect_vreg.gather [hbm4b:s3+s2], $0x80, v4, vm0, $0xb8;
	[tilespmem:$0xC080] =	vst v63  }
0x47: {  	v3 =	vadd.s32 v1, v3  }
0x48: {  	[tilespmem:s20], [sflag:$0x1] =	stream.indirect_vreg.gather [hbm4b:s4+s2], $0x80, v4, vm0, $0xb8;
	[tilespmem:$0xC080] =	vst v63  }
0x49: {  	_ = 	snop  }
0x4a: {  	[tilespmem:s21], [sflag:$0x1] =	stream.indirect_vreg.gather [hbm4b:s5+s2], $0x80, v4, vm0, $0xb8;
	[tilespmem:$0xC080] =	vst v63  }
0x4b: {  	_ = 	snop  }
0x4c: {  	[tilespmem:s22], [sflag:$0x1] =	stream.indirect_vreg.gather [hbm4b:s3+s2], $0x80, v3, vm0, $0xb8;
	[tilespmem:$0xC080] =	vst v63  }
0x4d: {  	_ = 	snop  }
0x4e: {  	[tilespmem:s23], [sflag:$0x1] =	stream.indirect_vreg.gather [hbm4b:s4+s2], $0x80, v3, vm0, $0xb8;
	[tilespmem:$0xC080] =	vst v63  }
0x4f: {  	_ = 	snop  }
0x50: {  	[tilespmem:s24], [sflag:$0x1] =	stream.indirect_vreg.gather [hbm4b:s5+s2], $0x80, v3, vm0, $0xb8;
	[tilespmem:$0xC080] =	vst v63  }
0x51: {  	v3 =	vld [tilespmem:$0x30];
	_ =	sdelay $0x4  }
0x52: {  	v63 =	vshrl.u32 v3, $0x3  }
0x53: {  	v4 =	vmul.u32 $0x30, v63  }
0x54: {  	v3 =	vand.u32 $0x7, v3  }
0x55: {  	v3 =	vor.u32 v3, v4  }
0x56: {  	v4 =	vperm.xlane v3, v0;
	_ =	sdelay $0x1  }
0x57: {  	v4 =	vadd.s32 v1, v4;
	_ =	sdelay $0x3  }
0x58: {  	v3 =	vperm.xlane v3, v2  }
0x59: {  	[tilespmem:s25], [sflag:$0x1] =	stream.indirect_vreg.gather [hbm4b:s3+s2], $0x80, v4, vm0, $0xb8;
	[tilespmem:$0xC080] =	vst v63  }
0x5a: {  	v3 =	vadd.s32 v1, v3  }
0x5b: {  	[tilespmem:s26], [sflag:$0x1] =	stream.indirect_vreg.gather [hbm4b:s4+s2], $0x80, v4, vm0, $0xb8;
	[tilespmem:$0xC080] =	vst v63  }
0x5c: {  	_ = 	snop  }
0x5d: {  	[tilespmem:s28], [sflag:$0x1] =	stream.indirect_vreg.gather [hbm4b:s5+s2], $0x80, v4, vm0, $0xb8;
	[tilespmem:$0xC080] =	vst v63  }
0x5e: {  	_ = 	snop  }
0x5f: {  	[tilespmem:s29], [sflag:$0x1] =	stream.indirect_vreg.gather [hbm4b:s3+s2], $0x80, v3, vm0, $0xb8;
	[tilespmem:$0xC080] =	vst v63  }
0x60: {  	_ = 	snop  }
0x61: {  	[tilespmem:s30], [sflag:$0x1] =	stream.indirect_vreg.gather [hbm4b:s4+s2], $0x80, v3, vm0, $0xb8;
	[tilespmem:$0xC080] =	vst v63  }
0x62: {  	_ = 	snop  }
0x63: {  	[tilespmem:s31], [sflag:$0x1] =	stream.indirect_vreg.gather [hbm4b:s5+s2], $0x80, v3, vm0, $0xb8;
	[tilespmem:$0xC080] =	vst v63  }
0x64: {  	_ =	swait.ge [sflag:s0], $0xC000  }
0x65: {  	p0 =	sne.s32 s6, $0x1;
	[sflag:s0] =	ssyncset.done $0x0  }
.Ltmp0:
0x66: {  	s1 =	rddreg [dreg:$0x4];
	[sflag:s0] =	ssyncadd.s32 $0xFFFF4000;
	(pc) =	sbr.rel @p0 .LBB2_1-.Ltmp0, $4  }
0x67: {  	[hbm4b:s1+s2] =	stream.linear.scatter [tilespmem:s8], [sflag:$0x2], $0xC000, $0x38;
	[tilespmem:$0xC080] =	vst v63  }
0x68: {  	_ =	swait.ge [sflag:s7], $0xC000  }
0x69: {  	[sflag:s7] =	ssyncset.done $0x0  }
0x6a: {  	s6 =	sadd.s32 $0xFFFFFFFF, s6;
	[sflag:s7] =	ssyncadd.s32 $0xFFFF4000  }
0x6b: {  	_ =	sfence.sel $0x180000  }
0x6c: {  	[bflag:$0x0] =	sbarrier.arrive $0xFFFF  }
0x6d: {  	_ =	strace $0x9000004A  }
0x6e: {  	s0 =	stileid.u32;
	[bflag:$0x2] =	sbarrier.arrive $0xFFFF  }
0x6f: {  	p0 =	sne.s32 s0, $0x0;
	s0 =	rddreg [dreg:$0x2]  }
0x70: {  	s0 =	sadd.s32 @!p0 $0x100000, s0  }
0x71: {  	[sflag:s0] =	ssyncadd.tile.s32 @!p0 $0x1;
	_ =	shalt  }
.Lfunc_end2:
_tile_overlayer_lowered:
.L_overlay_start_2:
0x72: {  	(tag) =	ssettag $0x2  }
0x73: {  	s0 =	rddreg [dreg:$0x0];
	s2 =	stileid.u32  }
0x74: {  	s1 =	rddreg [dreg:$0x1];
	p0 =	sne.s32 s2, $0x0  }
0x75: {  	s3 =	rddreg [dreg:$0x2];
	[bflag:$0x3] =	sbarrier.arrive $0xFFFF;
	s2 =	simm.s32 @!p0 $0x1C02  }
0x76: {  	[timem:s3], [sflag:s2] =	dma.local @!p0 [hbm:s0], s1  }
0x77: {  	s0 =	simm.s32 @!p0 $0x2  }
0x78: {  	_ =	swait.ge @!p0 [sflag:s0], s1  }
0x79: {  	s1 =	ssub.s32 @!p0 $0x0, s1;
	[sflag:s0] =	ssyncset.done @!p0 $0x0  }
0x7a: {  	[sflag:s0] =	ssyncadd.s32 @!p0 s1  }
0x7b: {  	[bflag:$0x3] =	sbarrier.arrive $0xFFFF  }
0x7c: {  	_ =	shalt  }

</sc_bundles>
